<compile_context>
chip_gen: v7x
topology: tpu7x:2x2x1
jax: 0.10.2.dev20260603
libtpu: 0.0.44.dev20260713+nightly
codegen_flags: <defaults>
</compile_context>

<pallas_src>
import functools

import jax
import jax.numpy as jnp
from jax import lax
from jax.experimental import pallas as pl
from jax.experimental.pallas import tpu as pltpu
from jax.experimental.pallas import tpu_sc as plsc

N_NODES = 10000
D_IN = 256
D_HID = 16
D_OUT = 64

NC = 2
NS = 16
NW = NC * NS
PP = 10240
RPT = PP // NS
CR = PP * D_HID // 128
PACK8 = 128 // D_HID

_MESH = functools.partial(
    plsc.VectorSubcoreMesh,
    core_axis_name="c", subcore_axis_name="s",
    num_cores=NC, num_subcores=NS)

_SC_PARAMS = pltpu.CompilerParams(use_tc_tiling_on_sc=False)


def _sc_propagate(h2d, zeros2d, ei, per_w):

    @functools.partial(
        pl.kernel,
        out_type=jax.ShapeDtypeStruct((NC * CR, 128), jnp.float32),
        mesh=_MESH(),
        compiler_params=_SC_PARAMS,
        scratch_types=[
            pltpu.VMEM((per_w,), jnp.int32),
            pltpu.VMEM((per_w,), jnp.int32),
            pltpu.VMEM((per_w, D_HID), jnp.float32),
            pltpu.VMEM((RPT, D_HID), jnp.float32),
            pltpu.VMEM((RPT * D_HID // 128, 128), jnp.float32),
            pltpu.VMEM_SHARED((PP, D_HID), jnp.float32),
            pltpu.SemaphoreType.DMA,
        ],
    )
    def prop_kernel(h_hbm, z_hbm, ei_hbm, out_hbm,
                    src_v, dst_v, rows_v, stage_v, pack_v, acc, sem):
        c = lax.axis_index("c")
        s = lax.axis_index("s")
        wid = s * NC + c
        row0 = s * RPT
        pltpu.sync_copy(z_hbm.at[pl.ds(row0, RPT)], acc.at[pl.ds(row0, RPT)])
        pltpu.sync_copy(ei_hbm.at[pl.ds(wid * per_w, per_w)], src_v)
        pltpu.sync_copy(ei_hbm.at[pl.ds((NW + wid) * per_w, per_w)], dst_v)
        plsc.subcore_barrier()
        pltpu.async_copy(h_hbm.at[src_v], rows_v, sem).wait()
        pltpu.sync_copy(rows_v, acc.at[dst_v], add=True)
        plsc.subcore_barrier()
        pltpu.sync_copy(acc.at[pl.ds(row0, RPT)], stage_v)
        def repack(i, _):
            v = stage_v[i, :]
            pack_v[i // PACK8, pl.ds((i % PACK8) * D_HID, D_HID)] = v
            return 0
        lax.fori_loop(0, RPT, repack, 0)
        prow = RPT * D_HID // 128
        pltpu.sync_copy(pack_v, out_hbm.at[pl.ds(c * CR + s * prow, prow)])

    return prop_kernel(h2d, zeros2d, ei)



PACK = 128 // D_HID
PR = N_NODES // PACK
TB = 320
TG = CR // TB
DO8 = PACK * D_OUT


def _pk(_):
    return pl.BlockSpec((TB, 128), lambda i: (i, 0))


def _q1(_):
    return pl.BlockSpec((TB, 128), lambda i: (i + TG, 0))


def _full(shape):
    return pl.BlockSpec(shape, lambda i: (0,) * len(shape))


def _eprep_body(ei_ref, o_ref):
    e = ei_ref.shape[1]
    o_ref[pl.ds(0, e)] = ei_ref[0, :]
    o_ref[pl.ds(e, e)] = ei_ref[1, :]


def _tc_eprep(edge_index):
    e = edge_index.shape[1]
    return pl.pallas_call(
        _eprep_body,
        out_shape=jax.ShapeDtypeStruct((2 * e,), jnp.int32),
    )(edge_index)


def _mm_body(x8_ref, w1bd_ref, h_ref):
    h_ref[...] = jnp.dot(x8_ref[...], w1bd_ref[...],
                         preferred_element_type=jnp.float32)


def _tc_matmul1(x8, W1bd):
    return pl.pallas_call(
        _mm_body,
        grid=(TG,),
        in_specs=[
            pl.BlockSpec((TB, PACK * D_IN), lambda i: (i, 0)),
            _full((PACK * D_IN, 128)),
        ],
        out_specs=_pk(0),
        out_shape=jax.ShapeDtypeStruct((CR, 128), jnp.float32),
    )(x8, W1bd)


def _scale_body(hpre_ref, d0_ref, d1_ref, h1_ref, dis_ref):
    deg = d0_ref[...] + d1_ref[...] + 1.0
    dis = lax.rsqrt(deg)
    h1_ref[...] = hpre_ref[...] * dis
    dis_ref[...] = dis


def _tc_scale(hpre, deg):
    return pl.pallas_call(
        _scale_body,
        grid=(TG,),
        in_specs=[_pk(0), _pk(0), _q1(0)],
        out_specs=[_pk(0)] * 2,
        out_shape=[jax.ShapeDtypeStruct((CR, 128), jnp.float32)] * 2,
    )(hpre, deg, deg)


def _mid_body(p0_ref, p1_ref, h1_ref, dis_ref, b1_ref, h2_ref):
    dis = dis_ref[...]
    pre = dis * (p0_ref[...] + p1_ref[...] + h1_ref[...]) + b1_ref[...]
    h2_ref[...] = dis * jnp.maximum(pre, 0.0)


def _tc_mid(q1, h1p, dis, b1_128):
    return pl.pallas_call(
        _mid_body,
        grid=(TG,),
        in_specs=[_pk(0), _q1(0), _pk(0), _pk(0), _full((1, 128))],
        out_specs=_pk(0),
        out_shape=jax.ShapeDtypeStruct((CR, 128), jnp.float32),
    )(q1, q1, h1p, dis, b1_128)


def _out_body(p0_ref, p1_ref, h2_ref, dis_ref, w2bd_ref, b2_ref, gsum_ref,
              o_ref):
    z = dis_ref[...] * (p0_ref[...] + p1_ref[...] + h2_ref[...])
    o = jnp.dot(z, w2bd_ref[...], preferred_element_type=jnp.float32)
    o = o + b2_ref[...]
    m = jnp.max(o, axis=1, keepdims=True)
    ex = jnp.exp(o - m)
    s = jnp.dot(ex, gsum_ref[...], preferred_element_type=jnp.float32)
    o_ref[...] = o - m - jnp.log(s)


def _tc_out(q2, h2p, dis, W2bd, b2_512, gsum):
    return pl.pallas_call(
        _out_body,
        grid=(TG,),
        in_specs=[_pk(0), _q1(0), _pk(0), _pk(0),
                  _full((128, DO8)), _full((1, DO8)), _full((DO8, DO8))],
        out_specs=pl.BlockSpec((TB, DO8), lambda i: (i, 0)),
        out_shape=jax.ShapeDtypeStruct((PR, DO8), jnp.float32),
    )(q2, q2, h2p, dis, W2bd, b2_512, gsum)


def kernel(x, edge_index, W1, b1, W2, b2):
    n, e = x.shape[0], edge_index.shape[1]
    assert n == N_NODES and e % NW == 0 and (e // NW) % 8 == 0
    per_w = e // NW

    x8 = x.reshape(PR, PACK * D_IN)
    eye8 = jnp.eye(PACK, dtype=jnp.float32)
    W1bd = jnp.kron(eye8, W1)
    W2bd = jnp.kron(eye8, W2)
    gsum = jnp.kron(eye8, jnp.ones((D_OUT, D_OUT), jnp.float32))
    b1_128 = jnp.tile(b1, PACK).reshape(1, 128)
    b2_512 = jnp.tile(b2, PACK).reshape(1, DO8)
    zeros2d = jnp.zeros((PP, D_HID), jnp.float32)
    ones2d = jnp.ones((PP, D_HID), jnp.float32)

    ei = _tc_eprep(edge_index.astype(jnp.int32))
    deg = _sc_propagate(ones2d, zeros2d, ei, per_w)
    hpre = _tc_matmul1(x8, W1bd)
    h1p, dis = _tc_scale(hpre, deg)
    q1 = _sc_propagate(h1p.reshape(PP, D_HID), zeros2d, ei, per_w)
    h2p = _tc_mid(q1, h1p, dis, b1_128)
    q2 = _sc_propagate(h2p.reshape(PP, D_HID), zeros2d, ei, per_w)
    out = _tc_out(q2, h2p, dis, W2bd, b2_512, gsum)
    return out.reshape(n, D_OUT)

# --- scband reference (transcript-rebuilt; emitter-appended) ---
"""Pipeline reference for scband-simple-gcn-90194313216476 (READ-ONLY COPY).

The authoritative reference and input builder live on the scoring server;
editing this copy changes nothing except your own understanding.
"""

import jax, jax.numpy as jnp
import numpy as np

N_NODES = 10000
N_EDGES = 160000
D_IN = 256
D_HID = 16
D_OUT = 64


def setup_inputs(seed: int = 0) -> dict:
    key = jax.random.key(seed)
    k1, k2, k3, k4, k5, k6 = jax.random.split(key, 6)
    x = jax.random.normal(k1, (N_NODES, D_IN), dtype=jnp.float32)
    edge_index = jax.random.randint(k2, (2, N_EDGES), 0, N_NODES, dtype=jnp.int64)
    W1 = jax.random.normal(k3, (D_IN, D_HID), dtype=jnp.float32) * (1.0 / np.sqrt(D_IN))
    b1 = jnp.zeros((D_HID,), dtype=jnp.float32)
    W2 = jax.random.normal(k4, (D_HID, D_OUT), dtype=jnp.float32) * (1.0 / np.sqrt(D_HID))
    b2 = jnp.zeros((D_OUT,), dtype=jnp.float32)
    return {"x": x, "edge_index": edge_index, "W1": W1, "b1": b1, "W2": W2, "b2": b2}


def gcn_conv(x, W, b, edge_index, num_nodes):
    # GCNConv with added self-loops and symmetric normalization:
    # out = D^{-1/2} (A + I) D^{-1/2} X W + b
    src = edge_index[0]
    dst = edge_index[1]
    loop = jnp.arange(num_nodes, dtype=src.dtype)
    src = jnp.concatenate([src, loop])
    dst = jnp.concatenate([dst, loop])
    deg = jnp.zeros((num_nodes,), dtype=x.dtype).at[dst].add(1.0)
    deg_inv_sqrt = jnp.where(deg > 0, 1.0 / jnp.sqrt(deg), 0.0)
    norm = deg_inv_sqrt[src] * deg_inv_sqrt[dst]
    h = x @ W
    msg = jnp.take(h, src, axis=0) * norm[:, None]
    out = jnp.zeros((num_nodes, h.shape[1]), dtype=h.dtype).at[dst].add(msg)
    return out + b


def reference(x, edge_index, W1, b1, W2, b2):
    n = x.shape[0]
    h = gcn_conv(x, W1, b1, edge_index, n)
    h = jax.nn.relu(h)
    # dropout is identity in eval mode / deterministic reference
    h = gcn_conv(h, W2, b2, edge_index, n)
    return jax.nn.log_softmax(h, axis=1)

if __name__ == "__main__":
    import jax
    _d = setup_inputs()
    print(jax.jit(kernel)(*tuple(_d.values())))

</pallas_src>

<mosaic_0001>
#map = affine_map<(d0, d1) -> (0, 0)>
#map1 = affine_map<(d0, d1) -> (0)>
module attributes {stable_mosaic.version = 14 : i64} {
  func.func @prop_kernel(%arg0: i32, %arg1: i32, %arg2: memref<10240x16xf32, #tpu.memory_space<hbm>>, %arg3: memref<10240x16xf32, #tpu.memory_space<hbm>>, %arg4: memref<320000xi32, #tpu.memory_space<hbm>>, %arg5: memref<2560x128xf32, #tpu.memory_space<hbm>>, %arg6: memref<5000xi32, #tpu.memory_space<vmem>>, %arg7: memref<5000xi32, #tpu.memory_space<vmem>>, %arg8: memref<5000x16xf32, #tpu.memory_space<vmem>>, %arg9: memref<640x16xf32, #tpu.memory_space<vmem>>, %arg10: memref<80x128xf32, #tpu.memory_space<vmem>>, %arg11: memref<10240x16xf32, #tpu.memory_space<vmem_shared>>, %arg12: memref<!tpu.dma_semaphore, #tpu.memory_space<semaphore_mem>>) attributes {dimension_semantics = [#tpu.dimension_semantics<core_parallel>, #tpu.dimension_semantics<subcore_parallel>], iteration_bounds = array<i64: 2, 16>, scalar_prefetch = 0 : i64, scratch_operands = 7 : i64, tpu.core_type = #tpu.core_type<sc_vector_subcore>, window_params = [{transform_indices = #map}, {transform_indices = #map}, {transform_indices = #map1}, {transform_indices = #map}]} {
    %mul3A = arith.constant 2 : i32
    %mul3A_0 = arith.muli %arg1, %mul3A : i32
    %add3A = arith.addi %mul3A_0, %arg0 : i32
    %mul3A_1 = arith.constant 640 : i32
    %mul3A_2 = arith.muli %arg1, %mul3A_1 : i32
    "tpu.region"() ({
      %run_scoped3A = tpu.sem_alloc : memref<!tpu.dma_semaphore, #tpu.memory_space<semaphore_mem>>
      %dma_start3A_25 = arith.constant 0 : i32
      %dma_start3A_26 = tpu.memref_slice %arg11[%mul3A_2, %dma_start3A_25] : memref<10240x16xf32, #tpu.memory_space<vmem_shared>> -> memref<640x16xf32, #tpu.memory_space<vmem_shared>>
      %dma_start3A_27 = arith.constant 0 : i32
      %dma_start3A_28 = tpu.memref_slice %arg3[%mul3A_2, %dma_start3A_27] : memref<10240x16xf32, #tpu.memory_space<hbm>> -> memref<640x16xf32, #tpu.memory_space<hbm>>
      tpu.enqueue_dma source(%dma_start3A_28 : memref<640x16xf32, #tpu.memory_space<hbm>>) target(%dma_start3A_26 : memref<640x16xf32, #tpu.memory_space<vmem_shared>>) target_semaphore(%run_scoped3A : memref<!tpu.dma_semaphore, #tpu.memory_space<semaphore_mem>>)
      %dma_wait3A_29 = arith.constant 0 : i32
      %dma_wait3A_30 = tpu.memref_slice %arg11[%mul3A_2, %dma_wait3A_29] : memref<10240x16xf32, #tpu.memory_space<vmem_shared>> -> memref<640x16xf32, #tpu.memory_space<vmem_shared>>
      %dma_wait3A_31 = arith.constant 0 : i32
      %dma_wait3A_32 = tpu.memref_slice %arg3[%mul3A_2, %dma_wait3A_31] : memref<10240x16xf32, #tpu.memory_space<hbm>> -> memref<640x16xf32, #tpu.memory_space<hbm>>
      tpu.wait_dma2 semaphore(%run_scoped3A : memref<!tpu.dma_semaphore, #tpu.memory_space<semaphore_mem>>) src(%dma_wait3A_32 : memref<640x16xf32, #tpu.memory_space<hbm>>) dst(%dma_wait3A_30 : memref<640x16xf32, #tpu.memory_space<vmem_shared>>)
      tpu.yield
    }) : () -> ()
    %mul3A_3 = arith.constant 5000 : i32
    %mul3A_4 = arith.muli %add3A, %mul3A_3 : i32
    "tpu.region"() ({
      %run_scoped3A = tpu.sem_alloc : memref<!tpu.dma_semaphore, #tpu.memory_space<semaphore_mem>>
      %dma_start3A_25 = tpu.memref_slice %arg4[%mul3A_4] : memref<320000xi32, #tpu.memory_space<hbm>> -> memref<5000xi32, #tpu.memory_space<hbm>>
      %dma_start3A_26 = tpu.memref_slice %arg4[%mul3A_4] : memref<320000xi32, #tpu.memory_space<hbm>> -> memref<5000xi32, #tpu.memory_space<hbm>>
      tpu.enqueue_dma source(%dma_start3A_26 : memref<5000xi32, #tpu.memory_space<hbm>>) target(%arg6 : memref<5000xi32, #tpu.memory_space<vmem>>) target_semaphore(%run_scoped3A : memref<!tpu.dma_semaphore, #tpu.memory_space<semaphore_mem>>)
      %dma_wait3A_27 = tpu.memref_slice %arg4[%mul3A_4] : memref<320000xi32, #tpu.memory_space<hbm>> -> memref<5000xi32, #tpu.memory_space<hbm>>
      %dma_wait3A_28 = tpu.memref_slice %arg4[%mul3A_4] : memref<320000xi32, #tpu.memory_space<hbm>> -> memref<5000xi32, #tpu.memory_space<hbm>>
      tpu.wait_dma2 semaphore(%run_scoped3A : memref<!tpu.dma_semaphore, #tpu.memory_space<semaphore_mem>>) src(%dma_wait3A_28 : memref<5000xi32, #tpu.memory_space<hbm>>) dst(%arg6 : memref<5000xi32, #tpu.memory_space<vmem>>)
      tpu.yield
    }) : () -> ()
    %add3A_5 = arith.constant 32 : i32
    %add3A_6 = arith.addi %add3A_5, %add3A : i32
    %mul3A_7 = arith.constant 5000 : i32
    %mul3A_8 = arith.muli %add3A_6, %mul3A_7 : i32
    "tpu.region"() ({
      %run_scoped3A = tpu.sem_alloc : memref<!tpu.dma_semaphore, #tpu.memory_space<semaphore_mem>>
      %dma_start3A_25 = tpu.memref_slice %arg4[%mul3A_8] : memref<320000xi32, #tpu.memory_space<hbm>> -> memref<5000xi32, #tpu.memory_space<hbm>>
      %dma_start3A_26 = tpu.memref_slice %arg4[%mul3A_8] : memref<320000xi32, #tpu.memory_space<hbm>> -> memref<5000xi32, #tpu.memory_space<hbm>>
      tpu.enqueue_dma source(%dma_start3A_26 : memref<5000xi32, #tpu.memory_space<hbm>>) target(%arg7 : memref<5000xi32, #tpu.memory_space<vmem>>) target_semaphore(%run_scoped3A : memref<!tpu.dma_semaphore, #tpu.memory_space<semaphore_mem>>)
      %dma_wait3A_27 = tpu.memref_slice %arg4[%mul3A_8] : memref<320000xi32, #tpu.memory_space<hbm>> -> memref<5000xi32, #tpu.memory_space<hbm>>
      %dma_wait3A_28 = tpu.memref_slice %arg4[%mul3A_8] : memref<320000xi32, #tpu.memory_space<hbm>> -> memref<5000xi32, #tpu.memory_space<hbm>>
      tpu.wait_dma2 semaphore(%run_scoped3A : memref<!tpu.dma_semaphore, #tpu.memory_space<semaphore_mem>>) src(%dma_wait3A_28 : memref<5000xi32, #tpu.memory_space<hbm>>) dst(%arg7 : memref<5000xi32, #tpu.memory_space<vmem>>)
      tpu.yield
    }) : () -> ()
    %barrier3A = arith.constant 0 : index
    tpu.barrier barrier_id(%barrier3A)
    %dma_start3A = arith.constant 0 : i32
    %dma_start3A_9 = arith.constant 0 : i32
    %dma_start3A_10 = tpu.memref_slice %arg2[%dma_start3A, %dma_start3A_9] : memref<10240x16xf32, #tpu.memory_space<hbm>> -> memref<10240x16xf32, #tpu.memory_space<hbm>>
    tpu.enqueue_indirect_dma source(%dma_start3A_10 : memref<10240x16xf32, #tpu.memory_space<hbm>>) target(%arg8 : memref<5000x16xf32, #tpu.memory_space<vmem>>) offsets(%arg6 : memref<5000xi32, #tpu.memory_space<vmem>>) semaphore(%arg12 : memref<!tpu.dma_semaphore, #tpu.memory_space<semaphore_mem>>)
    %dma_wait3A = arith.constant 0 : i32
    %dma_wait3A_11 = arith.constant 0 : i32
    %dma_wait3A_12 = tpu.memref_slice %arg2[%dma_wait3A, %dma_wait3A_11] : memref<10240x16xf32, #tpu.memory_space<hbm>> -> memref<10240x16xf32, #tpu.memory_space<hbm>>
    tpu.wait_indirect_dma semaphore(%arg12 : memref<!tpu.dma_semaphore, #tpu.memory_space<semaphore_mem>>) src(%dma_wait3A_12 : memref<10240x16xf32, #tpu.memory_space<hbm>>) dst(%arg8 : memref<5000x16xf32, #tpu.memory_space<vmem>>)
    "tpu.region"() ({
      %run_scoped3A = tpu.sem_alloc : memref<!tpu.dma_semaphore, #tpu.memory_space<semaphore_mem>>
      %dma_start3A_25 = arith.constant 0 : i32
      %dma_start3A_26 = arith.constant 0 : i32
      %dma_start3A_27 = tpu.memref_slice %arg11[%dma_start3A_25, %dma_start3A_26] : memref<10240x16xf32, #tpu.memory_space<vmem_shared>> -> memref<10240x16xf32, #tpu.memory_space<vmem_shared>>
      tpu.enqueue_indirect_dma source(%arg8 : memref<5000x16xf32, #tpu.memory_space<vmem>>) target(%dma_start3A_27 : memref<10240x16xf32, #tpu.memory_space<vmem_shared>>) offsets(%arg7 : memref<5000xi32, #tpu.memory_space<vmem>>) semaphore(%run_scoped3A : memref<!tpu.dma_semaphore, #tpu.memory_space<semaphore_mem>>) {add = true}
      %dma_wait3A_28 = arith.constant 0 : i32
      %dma_wait3A_29 = arith.constant 0 : i32
      %dma_wait3A_30 = tpu.memref_slice %arg11[%dma_wait3A_28, %dma_wait3A_29] : memref<10240x16xf32, #tpu.memory_space<vmem_shared>> -> memref<10240x16xf32, #tpu.memory_space<vmem_shared>>
      tpu.wait_indirect_dma semaphore(%run_scoped3A : memref<!tpu.dma_semaphore, #tpu.memory_space<semaphore_mem>>) src(%arg8 : memref<5000x16xf32, #tpu.memory_space<vmem>>) dst(%dma_wait3A_30 : memref<10240x16xf32, #tpu.memory_space<vmem_shared>>)
      tpu.yield
    }) : () -> ()
    %barrier3A_13 = arith.constant 0 : index
    tpu.barrier barrier_id(%barrier3A_13)
    "tpu.region"() ({
      %run_scoped3A = tpu.sem_alloc : memref<!tpu.dma_semaphore, #tpu.memory_space<semaphore_mem>>
      %dma_start3A_25 = arith.constant 0 : i32
      %dma_start3A_26 = tpu.memref_slice %arg11[%mul3A_2, %dma_start3A_25] : memref<10240x16xf32, #tpu.memory_space<vmem_shared>> -> memref<640x16xf32, #tpu.memory_space<vmem_shared>>
      %dma_start3A_27 = arith.constant 0 : i32
      %dma_start3A_28 = tpu.memref_slice %arg11[%mul3A_2, %dma_start3A_27] : memref<10240x16xf32, #tpu.memory_space<vmem_shared>> -> memref<640x16xf32, #tpu.memory_space<vmem_shared>>
      tpu.enqueue_dma source(%dma_start3A_28 : memref<640x16xf32, #tpu.memory_space<vmem_shared>>) target(%arg9 : memref<640x16xf32, #tpu.memory_space<vmem>>) target_semaphore(%run_scoped3A : memref<!tpu.dma_semaphore, #tpu.memory_space<semaphore_mem>>)
      %dma_wait3A_29 = arith.constant 0 : i32
      %dma_wait3A_30 = tpu.memref_slice %arg11[%mul3A_2, %dma_wait3A_29] : memref<10240x16xf32, #tpu.memory_space<vmem_shared>> -> memref<640x16xf32, #tpu.memory_space<vmem_shared>>
      %dma_wait3A_31 = arith.constant 0 : i32
      %dma_wait3A_32 = tpu.memref_slice %arg11[%mul3A_2, %dma_wait3A_31] : memref<10240x16xf32, #tpu.memory_space<vmem_shared>> -> memref<640x16xf32, #tpu.memory_space<vmem_shared>>
      tpu.wait_dma2 semaphore(%run_scoped3A : memref<!tpu.dma_semaphore, #tpu.memory_space<semaphore_mem>>) src(%dma_wait3A_32 : memref<640x16xf32, #tpu.memory_space<vmem_shared>>) dst(%arg9 : memref<640x16xf32, #tpu.memory_space<vmem>>)
      tpu.yield
    }) : () -> ()
    %scan3A = arith.constant 0 : i32
    %scan3A_14 = arith.constant 0 : i32
    %scan3A_15 = arith.constant 640 : i32
    %scan3A_16 = arith.addi %scan3A_14, %scan3A_15 : i32
    %scan3A_17 = arith.constant 1 : i32
    %scan3A_18 = scf.for %scan3A_25 = %scan3A_14 to %scan3A_16 step %scan3A_17 iter_args(%scan3A_26 = %scan3A) -> (i32)  : i32 {
      %get3A = arith.index_cast %scan3A_25 : i32 to index
      %get3A_27 = arith.constant 0 : index
      %get3A_28 = tpu.vector_load %arg9[%get3A, %get3A_27] {strides = array<i32>} : memref<640x16xf32, #tpu.memory_space<vmem>>, vector<1x16xf32>,
      %get3A_29 = vector.shape_cast %get3A_28 : vector<1x16xf32> to vector<16xf32>
      %jit3A = arith.constant 8 : i32
      %div3A = arith.divsi %scan3A_25, %jit3A : i32
      %sign3A = arith.constant 0 : i32
      %sign3A_30 = arith.cmpi sgt, %scan3A_25, %sign3A : i32
      %sign3A_31 = arith.extui %sign3A_30 : i1 to i32
      %sign3A_32 = arith.constant 0 : i32
      %sign3A_33 = arith.cmpi slt, %scan3A_25, %sign3A_32 : i32
      %sign3A_34 = arith.extui %sign3A_33 : i1 to i32
      %sign3A_35 = arith.subi %sign3A_31, %sign3A_34 : i32
      %sign3A_36 = arith.constant 0 : i32
      %sign3A_37 = arith.cmpi sgt, %jit3A, %sign3A_36 : i32
      %sign3A_38 = arith.extui %sign3A_37 : i1 to i32
      %sign3A_39 = arith.constant 0 : i32
      %sign3A_40 = arith.cmpi slt, %jit3A, %sign3A_39 : i32
      %sign3A_41 = arith.extui %sign3A_40 : i1 to i32
      %sign3A_42 = arith.subi %sign3A_38, %sign3A_41 : i32
      %ne3A = arith.cmpi ne, %sign3A_35, %sign3A_42 : i32
      %rem3A = arith.remsi %scan3A_25, %jit3A : i32
      %ne3A_43 = arith.constant 0 : i32
      %ne3A_44 = arith.cmpi ne, %rem3A, %ne3A_43 : i32
      %and3A = arith.andi %ne3A, %ne3A_44 : i1
      %sub3A = arith.constant 1 : i32
      %sub3A_45 = arith.subi %div3A, %sub3A : i32
      %select_n3A = arith.select %and3A, %sub3A_45, %div3A : i32
      %jit3A_46 = arith.constant 8 : i32
      %eq3A = arith.constant 0 : i32
      %eq3A_47 = arith.cmpi eq, %jit3A_46, %eq3A : i32
      %jit3A_48 = arith.constant 1 : i32
      %select_n3A_49 = arith.select %eq3A_47, %jit3A_48, %jit3A_46 : i32
      %rem3A_50 = arith.remsi %scan3A_25, %select_n3A_49 : i32
      %ne3A_51 = arith.constant 0 : i32
      %ne3A_52 = arith.cmpi ne, %rem3A_50, %ne3A_51 : i32
      %lt3A = arith.constant 0 : i32
      %lt3A_53 = arith.cmpi slt, %rem3A_50, %lt3A : i32
      %lt3A_54 = arith.constant 0 : i32
      %lt3A_55 = arith.cmpi slt, %select_n3A_49, %lt3A_54 : i32
      %ne3A_56 = arith.xori %lt3A_53, %lt3A_55 : i1
      %and3A_57 = arith.andi %ne3A_56, %ne3A_52 : i1
      %add3A_58 = arith.addi %rem3A_50, %select_n3A_49 : i32
      %select_n3A_59 = arith.select %and3A_57, %add3A_58, %rem3A_50 : i32
      %mul3A_60 = arith.constant 16 : i32
      %mul3A_61 = arith.muli %select_n3A_59, %mul3A_60 : i32
      %swap3A = arith.index_cast %select_n3A : i32 to index
      %swap3A_62 = arith.index_cast %mul3A_61 : i32 to index
      %swap3A_63 = tpu.vector_load %arg10[%swap3A, %swap3A_62] {strides = array<i32>} : memref<80x128xf32, #tpu.memory_space<vmem>>, vector<1x16xf32>,
      %swap3A_64 = vector.shape_cast %swap3A_63 : vector<1x16xf32> to vector<16xf32>
      %swap3A_65 = vector.shape_cast %get3A_29 : vector<16xf32> to vector<1x16xf32>
      tpu.vector_store %arg10[%swap3A, %swap3A_62], %swap3A_65 {strides = array<i32>} : memref<80x128xf32, #tpu.memory_space<vmem>>, vector<1x16xf32>,
      %scan3A_66 = arith.constant 0 : i32
      scf.yield %scan3A_66 : i32
    }
    %scan3A_19 = arith.constant 640 : i32
    %mul3A_20 = arith.constant 1280 : i32
    %mul3A_21 = arith.muli %arg0, %mul3A_20 : i32
    %mul3A_22 = arith.constant 80 : i32
    %mul3A_23 = arith.muli %arg1, %mul3A_22 : i32
    %add3A_24 = arith.addi %mul3A_21, %mul3A_23 : i32
    "tpu.region"() ({
      %run_scoped3A = tpu.sem_alloc : memref<!tpu.dma_semaphore, #tpu.memory_space<semaphore_mem>>
      %dma_start3A_25 = arith.constant 0 : i32
      %dma_start3A_26 = tpu.memref_slice %arg5[%add3A_24, %dma_start3A_25] : memref<2560x128xf32, #tpu.memory_space<hbm>> -> memref<80x128xf32, #tpu.memory_space<hbm>>
      %dma_start3A_27 = arith.constant 0 : i32
      %dma_start3A_28 = tpu.memref_slice %arg5[%add3A_24, %dma_start3A_27] : memref<2560x128xf32, #tpu.memory_space<hbm>> -> memref<80x128xf32, #tpu.memory_space<hbm>>
      tpu.enqueue_dma source(%arg10 : memref<80x128xf32, #tpu.memory_space<vmem>>) target(%dma_start3A_28 : memref<80x128xf32, #tpu.memory_space<hbm>>) target_semaphore(%run_scoped3A : memref<!tpu.dma_semaphore, #tpu.memory_space<semaphore_mem>>)
      %dma_wait3A_29 = arith.constant 0 : i32
      %dma_wait3A_30 = tpu.memref_slice %arg5[%add3A_24, %dma_wait3A_29] : memref<2560x128xf32, #tpu.memory_space<hbm>> -> memref<80x128xf32, #tpu.memory_space<hbm>>
      %dma_wait3A_31 = arith.constant 0 : i32
      %dma_wait3A_32 = tpu.memref_slice %arg5[%add3A_24, %dma_wait3A_31] : memref<2560x128xf32, #tpu.memory_space<hbm>> -> memref<80x128xf32, #tpu.memory_space<hbm>>
      tpu.wait_dma2 semaphore(%run_scoped3A : memref<!tpu.dma_semaphore, #tpu.memory_space<semaphore_mem>>) src(%arg10 : memref<80x128xf32, #tpu.memory_space<vmem>>) dst(%dma_wait3A_32 : memref<80x128xf32, #tpu.memory_space<hbm>>)
      tpu.yield
    }) : () -> ()
    return
  }
}

#map = affine_map<(d0, d1) -> (0, 0)>
#map1 = affine_map<(d0, d1) -> (0)>
module attributes {stable_mosaic.version = 14 : i64} {
  func.func @prop_kernel(%arg0: i32, %arg1: i32, %arg2: memref<10240x16xf32, #tpu.memory_space<hbm>>, %arg3: memref<10240x16xf32, #tpu.memory_space<hbm>>, %arg4: memref<320000xi32, #tpu.memory_space<hbm>>, %arg5: memref<2560x128xf32, #tpu.memory_space<hbm>>, %arg6: memref<5000xi32, #tpu.memory_space<vmem>>, %arg7: memref<5000xi32, #tpu.memory_space<vmem>>, %arg8: memref<5000x16xf32, #tpu.memory_space<vmem>>, %arg9: memref<640x16xf32, #tpu.memory_space<vmem>>, %arg10: memref<80x128xf32, #tpu.memory_space<vmem>>, %arg11: memref<10240x16xf32, #tpu.memory_space<vmem_shared>>, %arg12: memref<!tpu.dma_semaphore, #tpu.memory_space<semaphore_mem>>) attributes {dimension_semantics = [#tpu.dimension_semantics<core_parallel>, #tpu.dimension_semantics<subcore_parallel>], iteration_bounds = array<i64: 2, 16>, scalar_prefetch = 0 : i64, scratch_operands = 7 : i64, tpu.core_type = #tpu.core_type<sc_vector_subcore>, window_params = [{transform_indices = #map}, {transform_indices = #map}, {transform_indices = #map1}, {transform_indices = #map}]} {
    %mul3A = arith.constant 2 : i32
    %mul3A_0 = arith.muli %arg1, %mul3A : i32
    %add3A = arith.addi %mul3A_0, %arg0 : i32
    %mul3A_1 = arith.constant 640 : i32
    %mul3A_2 = arith.muli %arg1, %mul3A_1 : i32
    "tpu.region"() ({
      %run_scoped3A = tpu.sem_alloc : memref<!tpu.dma_semaphore, #tpu.memory_space<semaphore_mem>>
      %dma_start3A_25 = arith.constant 0 : i32
      %dma_start3A_26 = tpu.memref_slice %arg11[%mul3A_2, %dma_start3A_25] : memref<10240x16xf32, #tpu.memory_space<vmem_shared>> -> memref<640x16xf32, #tpu.memory_space<vmem_shared>>
      %dma_start3A_27 = arith.constant 0 : i32
      %dma_start3A_28 = tpu.memref_slice %arg3[%mul3A_2, %dma_start3A_27] : memref<10240x16xf32, #tpu.memory_space<hbm>> -> memref<640x16xf32, #tpu.memory_space<hbm>>
      tpu.enqueue_dma source(%dma_start3A_28 : memref<640x16xf32, #tpu.memory_space<hbm>>) target(%dma_start3A_26 : memref<640x16xf32, #tpu.memory_space<vmem_shared>>) target_semaphore(%run_scoped3A : memref<!tpu.dma_semaphore, #tpu.memory_space<semaphore_mem>>)
      %dma_wait3A_29 = arith.constant 0 : i32
      %dma_wait3A_30 = tpu.memref_slice %arg11[%mul3A_2, %dma_wait3A_29] : memref<10240x16xf32, #tpu.memory_space<vmem_shared>> -> memref<640x16xf32, #tpu.memory_space<vmem_shared>>
      %dma_wait3A_31 = arith.constant 0 : i32
      %dma_wait3A_32 = tpu.memref_slice %arg3[%mul3A_2, %dma_wait3A_31] : memref<10240x16xf32, #tpu.memory_space<hbm>> -> memref<640x16xf32, #tpu.memory_space<hbm>>
      tpu.wait_dma2 semaphore(%run_scoped3A : memref<!tpu.dma_semaphore, #tpu.memory_space<semaphore_mem>>) src(%dma_wait3A_32 : memref<640x16xf32, #tpu.memory_space<hbm>>) dst(%dma_wait3A_30 : memref<640x16xf32, #tpu.memory_space<vmem_shared>>)
      tpu.yield
    }) : () -> ()
    %mul3A_3 = arith.constant 5000 : i32
    %mul3A_4 = arith.muli %add3A, %mul3A_3 : i32
    "tpu.region"() ({
      %run_scoped3A = tpu.sem_alloc : memref<!tpu.dma_semaphore, #tpu.memory_space<semaphore_mem>>
      %dma_start3A_25 = tpu.memref_slice %arg4[%mul3A_4] : memref<320000xi32, #tpu.memory_space<hbm>> -> memref<5000xi32, #tpu.memory_space<hbm>>
      %dma_start3A_26 = tpu.memref_slice %arg4[%mul3A_4] : memref<320000xi32, #tpu.memory_space<hbm>> -> memref<5000xi32, #tpu.memory_space<hbm>>
      tpu.enqueue_dma source(%dma_start3A_26 : memref<5000xi32, #tpu.memory_space<hbm>>) target(%arg6 : memref<5000xi32, #tpu.memory_space<vmem>>) target_semaphore(%run_scoped3A : memref<!tpu.dma_semaphore, #tpu.memory_space<semaphore_mem>>)
      %dma_wait3A_27 = tpu.memref_slice %arg4[%mul3A_4] : memref<320000xi32, #tpu.memory_space<hbm>> -> memref<5000xi32, #tpu.memory_space<hbm>>
      %dma_wait3A_28 = tpu.memref_slice %arg4[%mul3A_4] : memref<320000xi32, #tpu.memory_space<hbm>> -> memref<5000xi32, #tpu.memory_space<hbm>>
      tpu.wait_dma2 semaphore(%run_scoped3A : memref<!tpu.dma_semaphore, #tpu.memory_space<semaphore_mem>>) src(%dma_wait3A_28 : memref<5000xi32, #tpu.memory_space<hbm>>) dst(%arg6 : memref<5000xi32, #tpu.memory_space<vmem>>)
      tpu.yield
    }) : () -> ()
    %add3A_5 = arith.constant 32 : i32
    %add3A_6 = arith.addi %add3A_5, %add3A : i32
    %mul3A_7 = arith.constant 5000 : i32
    %mul3A_8 = arith.muli %add3A_6, %mul3A_7 : i32
    "tpu.region"() ({
      %run_scoped3A = tpu.sem_alloc : memref<!tpu.dma_semaphore, #tpu.memory_space<semaphore_mem>>
      %dma_start3A_25 = tpu.memref_slice %arg4[%mul3A_8] : memref<320000xi32, #tpu.memory_space<hbm>> -> memref<5000xi32, #tpu.memory_space<hbm>>
      %dma_start3A_26 = tpu.memref_slice %arg4[%mul3A_8] : memref<320000xi32, #tpu.memory_space<hbm>> -> memref<5000xi32, #tpu.memory_space<hbm>>
      tpu.enqueue_dma source(%dma_start3A_26 : memref<5000xi32, #tpu.memory_space<hbm>>) target(%arg7 : memref<5000xi32, #tpu.memory_space<vmem>>) target_semaphore(%run_scoped3A : memref<!tpu.dma_semaphore, #tpu.memory_space<semaphore_mem>>)
      %dma_wait3A_27 = tpu.memref_slice %arg4[%mul3A_8] : memref<320000xi32, #tpu.memory_space<hbm>> -> memref<5000xi32, #tpu.memory_space<hbm>>
      %dma_wait3A_28 = tpu.memref_slice %arg4[%mul3A_8] : memref<320000xi32, #tpu.memory_space<hbm>> -> memref<5000xi32, #tpu.memory_space<hbm>>
      tpu.wait_dma2 semaphore(%run_scoped3A : memref<!tpu.dma_semaphore, #tpu.memory_space<semaphore_mem>>) src(%dma_wait3A_28 : memref<5000xi32, #tpu.memory_space<hbm>>) dst(%arg7 : memref<5000xi32, #tpu.memory_space<vmem>>)
      tpu.yield
    }) : () -> ()
    %barrier3A = arith.constant 0 : index
    tpu.barrier barrier_id(%barrier3A)
    %dma_start3A = arith.constant 0 : i32
    %dma_start3A_9 = arith.constant 0 : i32
    %dma_start3A_10 = tpu.memref_slice %arg2[%dma_start3A, %dma_start3A_9] : memref<10240x16xf32, #tpu.memory_space<hbm>> -> memref<10240x16xf32, #tpu.memory_space<hbm>>
    tpu.enqueue_indirect_dma source(%dma_start3A_10 : memref<10240x16xf32, #tpu.memory_space<hbm>>) target(%arg8 : memref<5000x16xf32, #tpu.memory_space<vmem>>) offsets(%arg6 : memref<5000xi32, #tpu.memory_space<vmem>>) semaphore(%arg12 : memref<!tpu.dma_semaphore, #tpu.memory_space<semaphore_mem>>)
    %dma_wait3A = arith.constant 0 : i32
    %dma_wait3A_11 = arith.constant 0 : i32
    %dma_wait3A_12 = tpu.memref_slice %arg2[%dma_wait3A, %dma_wait3A_11] : memref<10240x16xf32, #tpu.memory_space<hbm>> -> memref<10240x16xf32, #tpu.memory_space<hbm>>
    tpu.wait_indirect_dma semaphore(%arg12 : memref<!tpu.dma_semaphore, #tpu.memory_space<semaphore_mem>>) src(%dma_wait3A_12 : memref<10240x16xf32, #tpu.memory_space<hbm>>) dst(%arg8 : memref<5000x16xf32, #tpu.memory_space<vmem>>)
    "tpu.region"() ({
      %run_scoped3A = tpu.sem_alloc : memref<!tpu.dma_semaphore, #tpu.memory_space<semaphore_mem>>
      %dma_start3A_25 = arith.constant 0 : i32
      %dma_start3A_26 = arith.constant 0 : i32
      %dma_start3A_27 = tpu.memref_slice %arg11[%dma_start3A_25, %dma_start3A_26] : memref<10240x16xf32, #tpu.memory_space<vmem_shared>> -> memref<10240x16xf32, #tpu.memory_space<vmem_shared>>
      tpu.enqueue_indirect_dma source(%arg8 : memref<5000x16xf32, #tpu.memory_space<vmem>>) target(%dma_start3A_27 : memref<10240x16xf32, #tpu.memory_space<vmem_shared>>) offsets(%arg7 : memref<5000xi32, #tpu.memory_space<vmem>>) semaphore(%run_scoped3A : memref<!tpu.dma_semaphore, #tpu.memory_space<semaphore_mem>>) {add = true}
      %dma_wait3A_28 = arith.constant 0 : i32
      %dma_wait3A_29 = arith.constant 0 : i32
      %dma_wait3A_30 = tpu.memref_slice %arg11[%dma_wait3A_28, %dma_wait3A_29] : memref<10240x16xf32, #tpu.memory_space<vmem_shared>> -> memref<10240x16xf32, #tpu.memory_space<vmem_shared>>
      tpu.wait_indirect_dma semaphore(%run_scoped3A : memref<!tpu.dma_semaphore, #tpu.memory_space<semaphore_mem>>) src(%arg8 : memref<5000x16xf32, #tpu.memory_space<vmem>>) dst(%dma_wait3A_30 : memref<10240x16xf32, #tpu.memory_space<vmem_shared>>)
      tpu.yield
    }) : () -> ()
    %barrier3A_13 = arith.constant 0 : index
    tpu.barrier barrier_id(%barrier3A_13)
    "tpu.region"() ({
      %run_scoped3A = tpu.sem_alloc : memref<!tpu.dma_semaphore, #tpu.memory_space<semaphore_mem>>
      %dma_start3A_25 = arith.constant 0 : i32
      %dma_start3A_26 = tpu.memref_slice %arg11[%mul3A_2, %dma_start3A_25] : memref<10240x16xf32, #tpu.memory_space<vmem_shared>> -> memref<640x16xf32, #tpu.memory_space<vmem_shared>>
      %dma_start3A_27 = arith.constant 0 : i32
      %dma_start3A_28 = tpu.memref_slice %arg11[%mul3A_2, %dma_start3A_27] : memref<10240x16xf32, #tpu.memory_space<vmem_shared>> -> memref<640x16xf32, #tpu.memory_space<vmem_shared>>
      tpu.enqueue_dma source(%dma_start3A_28 : memref<640x16xf32, #tpu.memory_space<vmem_shared>>) target(%arg9 : memref<640x16xf32, #tpu.memory_space<vmem>>) target_semaphore(%run_scoped3A : memref<!tpu.dma_semaphore, #tpu.memory_space<semaphore_mem>>)
      %dma_wait3A_29 = arith.constant 0 : i32
      %dma_wait3A_30 = tpu.memref_slice %arg11[%mul3A_2, %dma_wait3A_29] : memref<10240x16xf32, #tpu.memory_space<vmem_shared>> -> memref<640x16xf32, #tpu.memory_space<vmem_shared>>
      %dma_wait3A_31 = arith.constant 0 : i32
      %dma_wait3A_32 = tpu.memref_slice %arg11[%mul3A_2, %dma_wait3A_31] : memref<10240x16xf32, #tpu.memory_space<vmem_shared>> -> memref<640x16xf32, #tpu.memory_space<vmem_shared>>
      tpu.wait_dma2 semaphore(%run_scoped3A : memref<!tpu.dma_semaphore, #tpu.memory_space<semaphore_mem>>) src(%dma_wait3A_32 : memref<640x16xf32, #tpu.memory_space<vmem_shared>>) dst(%arg9 : memref<640x16xf32, #tpu.memory_space<vmem>>)
      tpu.yield
    }) : () -> ()
    %scan3A = arith.constant 0 : i32
    %scan3A_14 = arith.constant 0 : i32
    %scan3A_15 = arith.constant 640 : i32
    %scan3A_16 = arith.addi %scan3A_14, %scan3A_15 : i32
    %scan3A_17 = arith.constant 1 : i32
    %scan3A_18 = scf.for %scan3A_25 = %scan3A_14 to %scan3A_16 step %scan3A_17 iter_args(%scan3A_26 = %scan3A) -> (i32)  : i32 {
      %get3A = arith.index_cast %scan3A_25 : i32 to index
      %get3A_27 = arith.constant 0 : index
      %get3A_28 = tpu.vector_load %arg9[%get3A, %get3A_27] {strides = array<i32>} : memref<640x16xf32, #tpu.memory_space<vmem>>, vector<1x16xf32>,
      %get3A_29 = vector.shape_cast %get3A_28 : vector<1x16xf32> to vector<16xf32>
      %jit3A = arith.constant 8 : i32
      %div3A = arith.divsi %scan3A_25, %jit3A : i32
      %sign3A = arith.constant 0 : i32
      %sign3A_30 = arith.cmpi sgt, %scan3A_25, %sign3A : i32
      %sign3A_31 = arith.extui %sign3A_30 : i1 to i32
      %sign3A_32 = arith.constant 0 : i32
      %sign3A_33 = arith.cmpi slt, %scan3A_25, %sign3A_32 : i32
      %sign3A_34 = arith.extui %sign3A_33 : i1 to i32
      %sign3A_35 = arith.subi %sign3A_31, %sign3A_34 : i32
      %sign3A_36 = arith.constant 0 : i32
      %sign3A_37 = arith.cmpi sgt, %jit3A, %sign3A_36 : i32
      %sign3A_38 = arith.extui %sign3A_37 : i1 to i32
      %sign3A_39 = arith.constant 0 : i32
      %sign3A_40 = arith.cmpi slt, %jit3A, %sign3A_39 : i32
      %sign3A_41 = arith.extui %sign3A_40 : i1 to i32
      %sign3A_42 = arith.subi %sign3A_38, %sign3A_41 : i32
      %ne3A = arith.cmpi ne, %sign3A_35, %sign3A_42 : i32
      %rem3A = arith.remsi %scan3A_25, %jit3A : i32
      %ne3A_43 = arith.constant 0 : i32
      %ne3A_44 = arith.cmpi ne, %rem3A, %ne3A_43 : i32
      %and3A = arith.andi %ne3A, %ne3A_44 : i1
      %sub3A = arith.constant 1 : i32
      %sub3A_45 = arith.subi %div3A, %sub3A : i32
      %select_n3A = arith.select %and3A, %sub3A_45, %div3A : i32
      %jit3A_46 = arith.constant 8 : i32
      %eq3A = arith.constant 0 : i32
      %eq3A_47 = arith.cmpi eq, %jit3A_46, %eq3A : i32
      %jit3A_48 = arith.constant 1 : i32
      %select_n3A_49 = arith.select %eq3A_47, %jit3A_48, %jit3A_46 : i32
      %rem3A_50 = arith.remsi %scan3A_25, %select_n3A_49 : i32
      %ne3A_51 = arith.constant 0 : i32
      %ne3A_52 = arith.cmpi ne, %rem3A_50, %ne3A_51 : i32
      %lt3A = arith.constant 0 : i32
      %lt3A_53 = arith.cmpi slt, %rem3A_50, %lt3A : i32
      %lt3A_54 = arith.constant 0 : i32
      %lt3A_55 = arith.cmpi slt, %select_n3A_49, %lt3A_54 : i32
      %ne3A_56 = arith.xori %lt3A_53, %lt3A_55 : i1
      %and3A_57 = arith.andi %ne3A_56, %ne3A_52 : i1
      %add3A_58 = arith.addi %rem3A_50, %select_n3A_49 : i32
      %select_n3A_59 = arith.select %and3A_57, %add3A_58, %rem3A_50 : i32
      %mul3A_60 = arith.constant 16 : i32
      %mul3A_61 = arith.muli %select_n3A_59, %mul3A_60 : i32
      %swap3A = arith.index_cast %select_n3A : i32 to index
      %swap3A_62 = arith.index_cast %mul3A_61 : i32 to index
      %swap3A_63 = tpu.vector_load %arg10[%swap3A, %swap3A_62] {strides = array<i32>} : memref<80x128xf32, #tpu.memory_space<vmem>>, vector<1x16xf32>,
      %swap3A_64 = vector.shape_cast %swap3A_63 : vector<1x16xf32> to vector<16xf32>
      %swap3A_65 = vector.shape_cast %get3A_29 : vector<16xf32> to vector<1x16xf32>
      tpu.vector_store %arg10[%swap3A, %swap3A_62], %swap3A_65 {strides = array<i32>} : memref<80x128xf32, #tpu.memory_space<vmem>>, vector<1x16xf32>,
      %scan3A_66 = arith.constant 0 : i32
      scf.yield %scan3A_66 : i32
    }
    %scan3A_19 = arith.constant 640 : i32
    %mul3A_20 = arith.constant 1280 : i32
    %mul3A_21 = arith.muli %arg0, %mul3A_20 : i32
    %mul3A_22 = arith.constant 80 : i32
    %mul3A_23 = arith.muli %arg1, %mul3A_22 : i32
    %add3A_24 = arith.addi %mul3A_21, %mul3A_23 : i32
    "tpu.region"() ({
      %run_scoped3A = tpu.sem_alloc : memref<!tpu.dma_semaphore, #tpu.memory_space<semaphore_mem>>
      %dma_start3A_25 = arith.constant 0 : i32
      %dma_start3A_26 = tpu.memref_slice %arg5[%add3A_24, %dma_start3A_25] : memref<2560x128xf32, #tpu.memory_space<hbm>> -> memref<80x128xf32, #tpu.memory_space<hbm>>
      %dma_start3A_27 = arith.constant 0 : i32
      %dma_start3A_28 = tpu.memref_slice %arg5[%add3A_24, %dma_start3A_27] : memref<2560x128xf32, #tpu.memory_space<hbm>> -> memref<80x128xf32, #tpu.memory_space<hbm>>
      tpu.enqueue_dma source(%arg10 : memref<80x128xf32, #tpu.memory_space<vmem>>) target(%dma_start3A_28 : memref<80x128xf32, #tpu.memory_space<hbm>>) target_semaphore(%run_scoped3A : memref<!tpu.dma_semaphore, #tpu.memory_space<semaphore_mem>>)
      %dma_wait3A_29 = arith.constant 0 : i32
      %dma_wait3A_30 = tpu.memref_slice %arg5[%add3A_24, %dma_wait3A_29] : memref<2560x128xf32, #tpu.memory_space<hbm>> -> memref<80x128xf32, #tpu.memory_space<hbm>>
      %dma_wait3A_31 = arith.constant 0 : i32
      %dma_wait3A_32 = tpu.memref_slice %arg5[%add3A_24, %dma_wait3A_31] : memref<2560x128xf32, #tpu.memory_space<hbm>> -> memref<80x128xf32, #tpu.memory_space<hbm>>
      tpu.wait_dma2 semaphore(%run_scoped3A : memref<!tpu.dma_semaphore, #tpu.memory_space<semaphore_mem>>) src(%arg10 : memref<80x128xf32, #tpu.memory_space<vmem>>) dst(%dma_wait3A_32 : memref<80x128xf32, #tpu.memory_space<hbm>>)
      tpu.yield
    }) : () -> ()
    return
  }
}

#map = affine_map<(d0, d1) -> (0, 0)>
#map1 = affine_map<(d0, d1) -> (0)>
module attributes {stable_mosaic.version = 14 : i64} {
  func.func @prop_kernel(%arg0: i32, %arg1: i32, %arg2: memref<10240x16xf32, #tpu.memory_space<hbm>>, %arg3: memref<10240x16xf32, #tpu.memory_space<hbm>>, %arg4: memref<320000xi32, #tpu.memory_space<hbm>>, %arg5: memref<2560x128xf32, #tpu.memory_space<hbm>>, %arg6: memref<5000xi32, #tpu.memory_space<vmem>>, %arg7: memref<5000xi32, #tpu.memory_space<vmem>>, %arg8: memref<5000x16xf32, #tpu.memory_space<vmem>>, %arg9: memref<640x16xf32, #tpu.memory_space<vmem>>, %arg10: memref<80x128xf32, #tpu.memory_space<vmem>>, %arg11: memref<10240x16xf32, #tpu.memory_space<vmem_shared>>, %arg12: memref<!tpu.dma_semaphore, #tpu.memory_space<semaphore_mem>>) attributes {dimension_semantics = [#tpu.dimension_semantics<core_parallel>, #tpu.dimension_semantics<subcore_parallel>], iteration_bounds = array<i64: 2, 16>, scalar_prefetch = 0 : i64, scratch_operands = 7 : i64, tpu.core_type = #tpu.core_type<sc_vector_subcore>, window_params = [{transform_indices = #map}, {transform_indices = #map}, {transform_indices = #map1}, {transform_indices = #map}]} {
    %mul3A = arith.constant 2 : i32
    %mul3A_0 = arith.muli %arg1, %mul3A : i32
    %add3A = arith.addi %mul3A_0, %arg0 : i32
    %mul3A_1 = arith.constant 640 : i32
    %mul3A_2 = arith.muli %arg1, %mul3A_1 : i32
    "tpu.region"() ({
      %run_scoped3A = tpu.sem_alloc : memref<!tpu.dma_semaphore, #tpu.memory_space<semaphore_mem>>
      %dma_start3A_25 = arith.constant 0 : i32
      %dma_start3A_26 = tpu.memref_slice %arg11[%mul3A_2, %dma_start3A_25] : memref<10240x16xf32, #tpu.memory_space<vmem_shared>> -> memref<640x16xf32, #tpu.memory_space<vmem_shared>>
      %dma_start3A_27 = arith.constant 0 : i32
      %dma_start3A_28 = tpu.memref_slice %arg3[%mul3A_2, %dma_start3A_27] : memref<10240x16xf32, #tpu.memory_space<hbm>> -> memref<640x16xf32, #tpu.memory_space<hbm>>
      tpu.enqueue_dma source(%dma_start3A_28 : memref<640x16xf32, #tpu.memory_space<hbm>>) target(%dma_start3A_26 : memref<640x16xf32, #tpu.memory_space<vmem_shared>>) target_semaphore(%run_scoped3A : memref<!tpu.dma_semaphore, #tpu.memory_space<semaphore_mem>>)
      %dma_wait3A_29 = arith.constant 0 : i32
      %dma_wait3A_30 = tpu.memref_slice %arg11[%mul3A_2, %dma_wait3A_29] : memref<10240x16xf32, #tpu.memory_space<vmem_shared>> -> memref<640x16xf32, #tpu.memory_space<vmem_shared>>
      %dma_wait3A_31 = arith.constant 0 : i32
      %dma_wait3A_32 = tpu.memref_slice %arg3[%mul3A_2, %dma_wait3A_31] : memref<10240x16xf32, #tpu.memory_space<hbm>> -> memref<640x16xf32, #tpu.memory_space<hbm>>
      tpu.wait_dma2 semaphore(%run_scoped3A : memref<!tpu.dma_semaphore, #tpu.memory_space<semaphore_mem>>) src(%dma_wait3A_32 : memref<640x16xf32, #tpu.memory_space<hbm>>) dst(%dma_wait3A_30 : memref<640x16xf32, #tpu.memory_space<vmem_shared>>)
      tpu.yield
    }) : () -> ()
    %mul3A_3 = arith.constant 5000 : i32
    %mul3A_4 = arith.muli %add3A, %mul3A_3 : i32
    "tpu.region"() ({
      %run_scoped3A = tpu.sem_alloc : memref<!tpu.dma_semaphore, #tpu.memory_space<semaphore_mem>>
      %dma_start3A_25 = tpu.memref_slice %arg4[%mul3A_4] : memref<320000xi32, #tpu.memory_space<hbm>> -> memref<5000xi32, #tpu.memory_space<hbm>>
      %dma_start3A_26 = tpu.memref_slice %arg4[%mul3A_4] : memref<320000xi32, #tpu.memory_space<hbm>> -> memref<5000xi32, #tpu.memory_space<hbm>>
      tpu.enqueue_dma source(%dma_start3A_26 : memref<5000xi32, #tpu.memory_space<hbm>>) target(%arg6 : memref<5000xi32, #tpu.memory_space<vmem>>) target_semaphore(%run_scoped3A : memref<!tpu.dma_semaphore, #tpu.memory_space<semaphore_mem>>)
      %dma_wait3A_27 = tpu.memref_slice %arg4[%mul3A_4] : memref<320000xi32, #tpu.memory_space<hbm>> -> memref<5000xi32, #tpu.memory_space<hbm>>
      %dma_wait3A_28 = tpu.memref_slice %arg4[%mul3A_4] : memref<320000xi32, #tpu.memory_space<hbm>> -> memref<5000xi32, #tpu.memory_space<hbm>>
      tpu.wait_dma2 semaphore(%run_scoped3A : memref<!tpu.dma_semaphore, #tpu.memory_space<semaphore_mem>>) src(%dma_wait3A_28 : memref<5000xi32, #tpu.memory_space<hbm>>) dst(%arg6 : memref<5000xi32, #tpu.memory_space<vmem>>)
      tpu.yield
    }) : () -> ()
    %add3A_5 = arith.constant 32 : i32
    %add3A_6 = arith.addi %add3A_5, %add3A : i32
    %mul3A_7 = arith.constant 5000 : i32
    %mul3A_8 = arith.muli %add3A_6, %mul3A_7 : i32
    "tpu.region"() ({
      %run_scoped3A = tpu.sem_alloc : memref<!tpu.dma_semaphore, #tpu.memory_space<semaphore_mem>>
      %dma_start3A_25 = tpu.memref_slice %arg4[%mul3A_8] : memref<320000xi32, #tpu.memory_space<hbm>> -> memref<5000xi32, #tpu.memory_space<hbm>>
      %dma_start3A_26 = tpu.memref_slice %arg4[%mul3A_8] : memref<320000xi32, #tpu.memory_space<hbm>> -> memref<5000xi32, #tpu.memory_space<hbm>>
      tpu.enqueue_dma source(%dma_start3A_26 : memref<5000xi32, #tpu.memory_space<hbm>>) target(%arg7 : memref<5000xi32, #tpu.memory_space<vmem>>) target_semaphore(%run_scoped3A : memref<!tpu.dma_semaphore, #tpu.memory_space<semaphore_mem>>)
      %dma_wait3A_27 = tpu.memref_slice %arg4[%mul3A_8] : memref<320000xi32, #tpu.memory_space<hbm>> -> memref<5000xi32, #tpu.memory_space<hbm>>
      %dma_wait3A_28 = tpu.memref_slice %arg4[%mul3A_8] : memref<320000xi32, #tpu.memory_space<hbm>> -> memref<5000xi32, #tpu.memory_space<hbm>>
      tpu.wait_dma2 semaphore(%run_scoped3A : memref<!tpu.dma_semaphore, #tpu.memory_space<semaphore_mem>>) src(%dma_wait3A_28 : memref<5000xi32, #tpu.memory_space<hbm>>) dst(%arg7 : memref<5000xi32, #tpu.memory_space<vmem>>)
      tpu.yield
    }) : () -> ()
    %barrier3A = arith.constant 0 : index
    tpu.barrier barrier_id(%barrier3A)
    %dma_start3A = arith.constant 0 : i32
    %dma_start3A_9 = arith.constant 0 : i32
    %dma_start3A_10 = tpu.memref_slice %arg2[%dma_start3A, %dma_start3A_9] : memref<10240x16xf32, #tpu.memory_space<hbm>> -> memref<10240x16xf32, #tpu.memory_space<hbm>>
    tpu.enqueue_indirect_dma source(%dma_start3A_10 : memref<10240x16xf32, #tpu.memory_space<hbm>>) target(%arg8 : memref<5000x16xf32, #tpu.memory_space<vmem>>) offsets(%arg6 : memref<5000xi32, #tpu.memory_space<vmem>>) semaphore(%arg12 : memref<!tpu.dma_semaphore, #tpu.memory_space<semaphore_mem>>)
    %dma_wait3A = arith.constant 0 : i32
    %dma_wait3A_11 = arith.constant 0 : i32
    %dma_wait3A_12 = tpu.memref_slice %arg2[%dma_wait3A, %dma_wait3A_11] : memref<10240x16xf32, #tpu.memory_space<hbm>> -> memref<10240x16xf32, #tpu.memory_space<hbm>>
    tpu.wait_indirect_dma semaphore(%arg12 : memref<!tpu.dma_semaphore, #tpu.memory_space<semaphore_mem>>) src(%dma_wait3A_12 : memref<10240x16xf32, #tpu.memory_space<hbm>>) dst(%arg8 : memref<5000x16xf32, #tpu.memory_space<vmem>>)
    "tpu.region"() ({
      %run_scoped3A = tpu.sem_alloc : memref<!tpu.dma_semaphore, #tpu.memory_space<semaphore_mem>>
      %dma_start3A_25 = arith.constant 0 : i32
      %dma_start3A_26 = arith.constant 0 : i32
      %dma_start3A_27 = tpu.memref_slice %arg11[%dma_start3A_25, %dma_start3A_26] : memref<10240x16xf32, #tpu.memory_space<vmem_shared>> -> memref<10240x16xf32, #tpu.memory_space<vmem_shared>>
      tpu.enqueue_indirect_dma source(%arg8 : memref<5000x16xf32, #tpu.memory_space<vmem>>) target(%dma_start3A_27 : memref<10240x16xf32, #tpu.memory_space<vmem_shared>>) offsets(%arg7 : memref<5000xi32, #tpu.memory_space<vmem>>) semaphore(%run_scoped3A : memref<!tpu.dma_semaphore, #tpu.memory_space<semaphore_mem>>) {add = true}
      %dma_wait3A_28 = arith.constant 0 : i32
      %dma_wait3A_29 = arith.constant 0 : i32
      %dma_wait3A_30 = tpu.memref_slice %arg11[%dma_wait3A_28, %dma_wait3A_29] : memref<10240x16xf32, #tpu.memory_space<vmem_shared>> -> memref<10240x16xf32, #tpu.memory_space<vmem_shared>>
      tpu.wait_indirect_dma semaphore(%run_scoped3A : memref<!tpu.dma_semaphore, #tpu.memory_space<semaphore_mem>>) src(%arg8 : memref<5000x16xf32, #tpu.memory_space<vmem>>) dst(%dma_wait3A_30 : memref<10240x16xf32, #tpu.memory_space<vmem_shared>>)
      tpu.yield
    }) : () -> ()
    %barrier3A_13 = arith.constant 0 : index
    tpu.barrier barrier_id(%barrier3A_13)
    "tpu.region"() ({
      %run_scoped3A = tpu.sem_alloc : memref<!tpu.dma_semaphore, #tpu.memory_space<semaphore_mem>>
      %dma_start3A_25 = arith.constant 0 : i32
      %dma_start3A_26 = tpu.memref_slice %arg11[%mul3A_2, %dma_start3A_25] : memref<10240x16xf32, #tpu.memory_space<vmem_shared>> -> memref<640x16xf32, #tpu.memory_space<vmem_shared>>
      %dma_start3A_27 = arith.constant 0 : i32
      %dma_start3A_28 = tpu.memref_slice %arg11[%mul3A_2, %dma_start3A_27] : memref<10240x16xf32, #tpu.memory_space<vmem_shared>> -> memref<640x16xf32, #tpu.memory_space<vmem_shared>>
      tpu.enqueue_dma source(%dma_start3A_28 : memref<640x16xf32, #tpu.memory_space<vmem_shared>>) target(%arg9 : memref<640x16xf32, #tpu.memory_space<vmem>>) target_semaphore(%run_scoped3A : memref<!tpu.dma_semaphore, #tpu.memory_space<semaphore_mem>>)
      %dma_wait3A_29 = arith.constant 0 : i32
      %dma_wait3A_30 = tpu.memref_slice %arg11[%mul3A_2, %dma_wait3A_29] : memref<10240x16xf32, #tpu.memory_space<vmem_shared>> -> memref<640x16xf32, #tpu.memory_space<vmem_shared>>
      %dma_wait3A_31 = arith.constant 0 : i32
      %dma_wait3A_32 = tpu.memref_slice %arg11[%mul3A_2, %dma_wait3A_31] : memref<10240x16xf32, #tpu.memory_space<vmem_shared>> -> memref<640x16xf32, #tpu.memory_space<vmem_shared>>
      tpu.wait_dma2 semaphore(%run_scoped3A : memref<!tpu.dma_semaphore, #tpu.memory_space<semaphore_mem>>) src(%dma_wait3A_32 : memref<640x16xf32, #tpu.memory_space<vmem_shared>>) dst(%arg9 : memref<640x16xf32, #tpu.memory_space<vmem>>)
      tpu.yield
    }) : () -> ()
    %scan3A = arith.constant 0 : i32
    %scan3A_14 = arith.constant 0 : i32
    %scan3A_15 = arith.constant 640 : i32
    %scan3A_16 = arith.addi %scan3A_14, %scan3A_15 : i32
    %scan3A_17 = arith.constant 1 : i32
    %scan3A_18 = scf.for %scan3A_25 = %scan3A_14 to %scan3A_16 step %scan3A_17 iter_args(%scan3A_26 = %scan3A) -> (i32)  : i32 {
      %get3A = arith.index_cast %scan3A_25 : i32 to index
      %get3A_27 = arith.constant 0 : index
      %get3A_28 = tpu.vector_load %arg9[%get3A, %get3A_27] {strides = array<i32>} : memref<640x16xf32, #tpu.memory_space<vmem>>, vector<1x16xf32>,
      %get3A_29 = vector.shape_cast %get3A_28 : vector<1x16xf32> to vector<16xf32>
      %jit3A = arith.constant 8 : i32
      %div3A = arith.divsi %scan3A_25, %jit3A : i32
      %sign3A = arith.constant 0 : i32
      %sign3A_30 = arith.cmpi sgt, %scan3A_25, %sign3A : i32
      %sign3A_31 = arith.extui %sign3A_30 : i1 to i32
      %sign3A_32 = arith.constant 0 : i32
      %sign3A_33 = arith.cmpi slt, %scan3A_25, %sign3A_32 : i32
      %sign3A_34 = arith.extui %sign3A_33 : i1 to i32
      %sign3A_35 = arith.subi %sign3A_31, %sign3A_34 : i32
      %sign3A_36 = arith.constant 0 : i32
      %sign3A_37 = arith.cmpi sgt, %jit3A, %sign3A_36 : i32
      %sign3A_38 = arith.extui %sign3A_37 : i1 to i32
      %sign3A_39 = arith.constant 0 : i32
      %sign3A_40 = arith.cmpi slt, %jit3A, %sign3A_39 : i32
      %sign3A_41 = arith.extui %sign3A_40 : i1 to i32
      %sign3A_42 = arith.subi %sign3A_38, %sign3A_41 : i32
      %ne3A = arith.cmpi ne, %sign3A_35, %sign3A_42 : i32
      %rem3A = arith.remsi %scan3A_25, %jit3A : i32
      %ne3A_43 = arith.constant 0 : i32
      %ne3A_44 = arith.cmpi ne, %rem3A, %ne3A_43 : i32
      %and3A = arith.andi %ne3A, %ne3A_44 : i1
      %sub3A = arith.constant 1 : i32
      %sub3A_45 = arith.subi %div3A, %sub3A : i32
      %select_n3A = arith.select %and3A, %sub3A_45, %div3A : i32
      %jit3A_46 = arith.constant 8 : i32
      %eq3A = arith.constant 0 : i32
      %eq3A_47 = arith.cmpi eq, %jit3A_46, %eq3A : i32
      %jit3A_48 = arith.constant 1 : i32
      %select_n3A_49 = arith.select %eq3A_47, %jit3A_48, %jit3A_46 : i32
      %rem3A_50 = arith.remsi %scan3A_25, %select_n3A_49 : i32
      %ne3A_51 = arith.constant 0 : i32
      %ne3A_52 = arith.cmpi ne, %rem3A_50, %ne3A_51 : i32
      %lt3A = arith.constant 0 : i32
      %lt3A_53 = arith.cmpi slt, %rem3A_50, %lt3A : i32
      %lt3A_54 = arith.constant 0 : i32
      %lt3A_55 = arith.cmpi slt, %select_n3A_49, %lt3A_54 : i32
      %ne3A_56 = arith.xori %lt3A_53, %lt3A_55 : i1
      %and3A_57 = arith.andi %ne3A_56, %ne3A_52 : i1
      %add3A_58 = arith.addi %rem3A_50, %select_n3A_49 : i32
      %select_n3A_59 = arith.select %and3A_57, %add3A_58, %rem3A_50 : i32
      %mul3A_60 = arith.constant 16 : i32
      %mul3A_61 = arith.muli %select_n3A_59, %mul3A_60 : i32
      %swap3A = arith.index_cast %select_n3A : i32 to index
      %swap3A_62 = arith.index_cast %mul3A_61 : i32 to index
      %swap3A_63 = tpu.vector_load %arg10[%swap3A, %swap3A_62] {strides = array<i32>} : memref<80x128xf32, #tpu.memory_space<vmem>>, vector<1x16xf32>,
      %swap3A_64 = vector.shape_cast %swap3A_63 : vector<1x16xf32> to vector<16xf32>
      %swap3A_65 = vector.shape_cast %get3A_29 : vector<16xf32> to vector<1x16xf32>
      tpu.vector_store %arg10[%swap3A, %swap3A_62], %swap3A_65 {strides = array<i32>} : memref<80x128xf32, #tpu.memory_space<vmem>>, vector<1x16xf32>,
      %scan3A_66 = arith.constant 0 : i32
      scf.yield %scan3A_66 : i32
    }
    %scan3A_19 = arith.constant 640 : i32
    %mul3A_20 = arith.constant 1280 : i32
    %mul3A_21 = arith.muli %arg0, %mul3A_20 : i32
    %mul3A_22 = arith.constant 80 : i32
    %mul3A_23 = arith.muli %arg1, %mul3A_22 : i32
    %add3A_24 = arith.addi %mul3A_21, %mul3A_23 : i32
    "tpu.region"() ({
      %run_scoped3A = tpu.sem_alloc : memref<!tpu.dma_semaphore, #tpu.memory_space<semaphore_mem>>
      %dma_start3A_25 = arith.constant 0 : i32
      %dma_start3A_26 = tpu.memref_slice %arg5[%add3A_24, %dma_start3A_25] : memref<2560x128xf32, #tpu.memory_space<hbm>> -> memref<80x128xf32, #tpu.memory_space<hbm>>
      %dma_start3A_27 = arith.constant 0 : i32
      %dma_start3A_28 = tpu.memref_slice %arg5[%add3A_24, %dma_start3A_27] : memref<2560x128xf32, #tpu.memory_space<hbm>> -> memref<80x128xf32, #tpu.memory_space<hbm>>
      tpu.enqueue_dma source(%arg10 : memref<80x128xf32, #tpu.memory_space<vmem>>) target(%dma_start3A_28 : memref<80x128xf32, #tpu.memory_space<hbm>>) target_semaphore(%run_scoped3A : memref<!tpu.dma_semaphore, #tpu.memory_space<semaphore_mem>>)
      %dma_wait3A_29 = arith.constant 0 : i32
      %dma_wait3A_30 = tpu.memref_slice %arg5[%add3A_24, %dma_wait3A_29] : memref<2560x128xf32, #tpu.memory_space<hbm>> -> memref<80x128xf32, #tpu.memory_space<hbm>>
      %dma_wait3A_31 = arith.constant 0 : i32
      %dma_wait3A_32 = tpu.memref_slice %arg5[%add3A_24, %dma_wait3A_31] : memref<2560x128xf32, #tpu.memory_space<hbm>> -> memref<80x128xf32, #tpu.memory_space<hbm>>
      tpu.wait_dma2 semaphore(%run_scoped3A : memref<!tpu.dma_semaphore, #tpu.memory_space<semaphore_mem>>) src(%arg10 : memref<80x128xf32, #tpu.memory_space<vmem>>) dst(%dma_wait3A_32 : memref<80x128xf32, #tpu.memory_space<hbm>>)
      tpu.yield
    }) : () -> ()
    return
  }
}

module attributes {stable_mosaic.version = 14 : i64} {
  func.func @_eprep_body(%arg0: memref<2x160000xi32, #tpu.memory_space<vmem>>, %arg1: memref<320000xi32, #tpu.memory_space<vmem>>) attributes {dimension_semantics = [], scalar_prefetch = 0 : i64, scratch_operands = 0 : i64, tpu.core_type = #tpu.core_type<tc>} {
    %get3A = arith.constant 0 : index
    %get3A_0 = arith.constant 0 : index
    %get3A_1 = vector.load %arg0[%get3A, %get3A_0] : memref<2x160000xi32, #tpu.memory_space<vmem>>, vector<1x160000xi32>
    %get3A_2 = vector.shape_cast %get3A_1 : vector<1x160000xi32> to vector<160000xi32>
    %swap3A = arith.constant 0 : index
    %swap3A_3 = vector.load %arg1[%swap3A] : memref<320000xi32, #tpu.memory_space<vmem>>, vector<160000xi32>
    tpu.vector_store %arg1[%swap3A], %get3A_2 {strides = array<i32>} : memref<320000xi32, #tpu.memory_space<vmem>>, vector<160000xi32>,
    %get3A_4 = arith.constant 1 : index
    %get3A_5 = arith.constant 0 : index
    %get3A_6 = vector.load %arg0[%get3A_4, %get3A_5] : memref<2x160000xi32, #tpu.memory_space<vmem>>, vector<1x160000xi32>
    %get3A_7 = vector.shape_cast %get3A_6 : vector<1x160000xi32> to vector<160000xi32>
    %swap3A_8 = arith.constant 160000 : index
    %swap3A_9 = vector.load %arg1[%swap3A_8] : memref<320000xi32, #tpu.memory_space<vmem>>, vector<160000xi32>
    tpu.vector_store %arg1[%swap3A_8], %get3A_7 {strides = array<i32>} : memref<320000xi32, #tpu.memory_space<vmem>>, vector<160000xi32>,
    return
  }
}

module attributes {stable_mosaic.version = 14 : i64} {
  func.func @_mm_body(%arg0: i32, %arg1: memref<320x2048xf32, #tpu.memory_space<vmem>>, %arg2: memref<2048x128xf32, #tpu.memory_space<vmem>>, %arg3: memref<320x128xf32, #tpu.memory_space<vmem>>) attributes {dimension_semantics = [#tpu.dimension_semantics<arbitrary>], iteration_bounds = array<i64: 4>, scalar_prefetch = 0 : i64, scratch_operands = 0 : i64, tpu.core_type = #tpu.core_type<tc>, window_params = [{transform_indices = @transform_0, window_bounds = array<i64: 320, 2048>}, {pipeline_mode = #tpu.pipeline_mode<synchronous>, transform_indices = @transform_1, window_bounds = array<i64: 2048, 128>}, {transform_indices = @transform_2, window_bounds = array<i64: 320, 128>}]} {
    %get3A = arith.constant 0 : index
    %get3A_0 = arith.constant 0 : index
    %get3A_1 = vector.load %arg1[%get3A, %get3A_0] : memref<320x2048xf32, #tpu.memory_space<vmem>>, vector<320x2048xf32>
    %get3A_2 = arith.constant 0 : index
    %get3A_3 = arith.constant 0 : index
    %get3A_4 = vector.load %arg2[%get3A_2, %get3A_3] : memref<2048x128xf32, #tpu.memory_space<vmem>>, vector<2048x128xf32>
    %dot_general3A = arith.constant dense<0.000000e+00> : vector<320x128xf32>
    %dot_general3A_5 = tpu.matmul %get3A_1, %get3A_4, %dot_general3A {dimension_numbers = #tpu.dot_dimension_numbers<[1], [0], [0], [1], [0, 0, 1, 1], [], []>, transpose_lhs_hint = false} : vector<320x2048xf32>, vector<2048x128xf32>, vector<320x128xf32> -> vector<320x128xf32>
    %swap3A = arith.constant 0 : index
    %swap3A_6 = arith.constant 0 : index
    %swap3A_7 = vector.load %arg3[%swap3A, %swap3A_6] : memref<320x128xf32, #tpu.memory_space<vmem>>, vector<320x128xf32>
    tpu.vector_store %arg3[%swap3A, %swap3A_6], %dot_general3A_5 {strides = array<i32>} : memref<320x128xf32, #tpu.memory_space<vmem>>, vector<320x128xf32>,
    return
  }
  func.func @transform_0(%arg0: i32) -> (i32, i32) {
    %c0_i32 = arith.constant 0 : i32
    %c0_i32_0 = arith.constant 0 : i32
    return %arg0, %c0_i32 : i32, i32
  }
  func.func @transform_1(%arg0: i32) -> (i32, i32) {
    %c0_i32 = arith.constant 0 : i32
    %c0_i32_0 = arith.constant 0 : i32
    %c0_i32_1 = arith.constant 0 : i32
    return %c0_i32, %c0_i32_0 : i32, i32
  }
  func.func @transform_2(%arg0: i32) -> (i32, i32) {
    %c0_i32 = arith.constant 0 : i32
    %c0_i32_0 = arith.constant 0 : i32
    return %arg0, %c0_i32 : i32, i32
  }
}

module attributes {stable_mosaic.version = 14 : i64} {
  func.func @_scale_body(%arg0: i32, %arg1: memref<320x128xf32, #tpu.memory_space<vmem>>, %arg2: memref<320x128xf32, #tpu.memory_space<vmem>>, %arg3: memref<320x128xf32, #tpu.memory_space<vmem>>, %arg4: memref<320x128xf32, #tpu.memory_space<vmem>>, %arg5: memref<320x128xf32, #tpu.memory_space<vmem>>) attributes {dimension_semantics = [#tpu.dimension_semantics<arbitrary>], iteration_bounds = array<i64: 4>, scalar_prefetch = 0 : i64, scratch_operands = 0 : i64, tpu.core_type = #tpu.core_type<tc>, window_params = [{transform_indices = @transform_0, window_bounds = array<i64: 320, 128>}, {transform_indices = @transform_1, window_bounds = array<i64: 320, 128>}, {transform_indices = @transform_2, window_bounds = array<i64: 320, 128>}, {transform_indices = @transform_3, window_bounds = array<i64: 320, 128>}, {transform_indices = @transform_4, window_bounds = array<i64: 320, 128>}]} {
    %get3A = arith.constant 0 : index
    %get3A_0 = arith.constant 0 : index
    %get3A_1 = vector.load %arg2[%get3A, %get3A_0] : memref<320x128xf32, #tpu.memory_space<vmem>>, vector<320x128xf32>
    %get3A_2 = arith.constant 0 : index
    %get3A_3 = arith.constant 0 : index
    %get3A_4 = vector.load %arg3[%get3A_2, %get3A_3] : memref<320x128xf32, #tpu.memory_space<vmem>>, vector<320x128xf32>
    %add3A = arith.addf %get3A_1, %get3A_4 : vector<320x128xf32>
    %add3A_5 = arith.constant 1.000000e+00 : f32
    %add3A_6 = vector.broadcast %add3A_5 : f32 to vector<320x128xf32>
    %add3A_7 = arith.addf %add3A, %add3A_6 : vector<320x128xf32>
    %rsqrt3A = math.rsqrt %add3A_7 : vector<320x128xf32>
    %get3A_8 = arith.constant 0 : index
    %get3A_9 = arith.constant 0 : index
    %get3A_10 = vector.load %arg1[%get3A_8, %get3A_9] : memref<320x128xf32, #tpu.memory_space<vmem>>, vector<320x128xf32>
    %mul3A = arith.mulf %get3A_10, %rsqrt3A : vector<320x128xf32>
    %swap3A = arith.constant 0 : index
    %swap3A_11 = arith.constant 0 : index
    %swap3A_12 = vector.load %arg4[%swap3A, %swap3A_11] : memref<320x128xf32, #tpu.memory_space<vmem>>, vector<320x128xf32>
    tpu.vector_store %arg4[%swap3A, %swap3A_11], %mul3A {strides = array<i32>} : memref<320x128xf32, #tpu.memory_space<vmem>>, vector<320x128xf32>,
    %swap3A_13 = arith.constant 0 : index
    %swap3A_14 = arith.constant 0 : index
    %swap3A_15 = vector.load %arg5[%swap3A_13, %swap3A_14] : memref<320x128xf32, #tpu.memory_space<vmem>>, vector<320x128xf32>
    tpu.vector_store %arg5[%swap3A_13, %swap3A_14], %rsqrt3A {strides = array<i32>} : memref<320x128xf32, #tpu.memory_space<vmem>>, vector<320x128xf32>,
    return
  }
  func.func @transform_0(%arg0: i32) -> (i32, i32) {
    %c0_i32 = arith.constant 0 : i32
    %c0_i32_0 = arith.constant 0 : i32
    return %arg0, %c0_i32 : i32, i32
  }
  func.func @transform_1(%arg0: i32) -> (i32, i32) {
    %c0_i32 = arith.constant 0 : i32
    %c0_i32_0 = arith.constant 0 : i32
    return %arg0, %c0_i32 : i32, i32
  }
  func.func @transform_2(%arg0: i32) -> (i32, i32) {
    %add3A = arith.constant 4 : i32
    %add3A_0 = arith.addi %arg0, %add3A : i32
    %c0_i32 = arith.constant 0 : i32
    %c0_i32_1 = arith.constant 0 : i32
    return %add3A_0, %c0_i32 : i32, i32
  }
  func.func @transform_3(%arg0: i32) -> (i32, i32) {
    %c0_i32 = arith.constant 0 : i32
    %c0_i32_0 = arith.constant 0 : i32
    return %arg0, %c0_i32 : i32, i32
  }
  func.func @transform_4(%arg0: i32) -> (i32, i32) {
    %c0_i32 = arith.constant 0 : i32
    %c0_i32_0 = arith.constant 0 : i32
    return %arg0, %c0_i32 : i32, i32
  }
}

module attributes {stable_mosaic.version = 14 : i64} {
  func.func @_mid_body(%arg0: i32, %arg1: memref<320x128xf32, #tpu.memory_space<vmem>>, %arg2: memref<320x128xf32, #tpu.memory_space<vmem>>, %arg3: memref<320x128xf32, #tpu.memory_space<vmem>>, %arg4: memref<320x128xf32, #tpu.memory_space<vmem>>, %arg5: memref<1x128xf32, #tpu.memory_space<vmem>>, %arg6: memref<320x128xf32, #tpu.memory_space<vmem>>) attributes {dimension_semantics = [#tpu.dimension_semantics<arbitrary>], iteration_bounds = array<i64: 4>, scalar_prefetch = 0 : i64, scratch_operands = 0 : i64, tpu.core_type = #tpu.core_type<tc>, window_params = [{transform_indices = @transform_0, window_bounds = array<i64: 320, 128>}, {transform_indices = @transform_1, window_bounds = array<i64: 320, 128>}, {transform_indices = @transform_2, window_bounds = array<i64: 320, 128>}, {transform_indices = @transform_3, window_bounds = array<i64: 320, 128>}, {pipeline_mode = #tpu.pipeline_mode<synchronous>, transform_indices = @transform_4, window_bounds = array<i64: 1, 128>}, {transform_indices = @transform_5, window_bounds = array<i64: 320, 128>}]} {
    %get3A = arith.constant 0 : index
    %get3A_0 = arith.constant 0 : index
    %get3A_1 = vector.load %arg4[%get3A, %get3A_0] : memref<320x128xf32, #tpu.memory_space<vmem>>, vector<320x128xf32>
    %get3A_2 = arith.constant 0 : index
    %get3A_3 = arith.constant 0 : index
    %get3A_4 = vector.load %arg1[%get3A_2, %get3A_3] : memref<320x128xf32, #tpu.memory_space<vmem>>, vector<320x128xf32>
    %get3A_5 = arith.constant 0 : index
    %get3A_6 = arith.constant 0 : index
    %get3A_7 = vector.load %arg2[%get3A_5, %get3A_6] : memref<320x128xf32, #tpu.memory_space<vmem>>, vector<320x128xf32>
    %add3A = arith.addf %get3A_4, %get3A_7 : vector<320x128xf32>
    %get3A_8 = arith.constant 0 : index
    %get3A_9 = arith.constant 0 : index
    %get3A_10 = vector.load %arg3[%get3A_8, %get3A_9] : memref<320x128xf32, #tpu.memory_space<vmem>>, vector<320x128xf32>
    %add3A_11 = arith.addf %add3A, %get3A_10 : vector<320x128xf32>
    %mul3A = arith.mulf %get3A_1, %add3A_11 : vector<320x128xf32>
    %get3A_12 = arith.constant 0 : index
    %get3A_13 = arith.constant 0 : index
    %get3A_14 = vector.load %arg5[%get3A_12, %get3A_13] : memref<1x128xf32, #tpu.memory_space<vmem>>, vector<1x128xf32>
    %add3A_15 = vector.broadcast %get3A_14 : vector<1x128xf32> to vector<320x128xf32>
    %add3A_16 = arith.addf %mul3A, %add3A_15 : vector<320x128xf32>
    %max3A = arith.constant 0.000000e+00 : f32
    %max3A_17 = vector.broadcast %max3A : f32 to vector<320x128xf32>
    %max3A_18 = arith.maximumf %add3A_16, %max3A_17 : vector<320x128xf32>
    %mul3A_19 = arith.mulf %get3A_1, %max3A_18 : vector<320x128xf32>
    %swap3A = arith.constant 0 : index
    %swap3A_20 = arith.constant 0 : index
    %swap3A_21 = vector.load %arg6[%swap3A, %swap3A_20] : memref<320x128xf32, #tpu.memory_space<vmem>>, vector<320x128xf32>
    tpu.vector_store %arg6[%swap3A, %swap3A_20], %mul3A_19 {strides = array<i32>} : memref<320x128xf32, #tpu.memory_space<vmem>>, vector<320x128xf32>,
    return
  }
  func.func @transform_0(%arg0: i32) -> (i32, i32) {
    %c0_i32 = arith.constant 0 : i32
    %c0_i32_0 = arith.constant 0 : i32
    return %arg0, %c0_i32 : i32, i32
  }
  func.func @transform_1(%arg0: i32) -> (i32, i32) {
    %add3A = arith.constant 4 : i32
    %add3A_0 = arith.addi %arg0, %add3A : i32
    %c0_i32 = arith.constant 0 : i32
    %c0_i32_1 = arith.constant 0 : i32
    return %add3A_0, %c0_i32 : i32, i32
  }
  func.func @transform_2(%arg0: i32) -> (i32, i32) {
    %c0_i32 = arith.constant 0 : i32
    %c0_i32_0 = arith.constant 0 : i32
    return %arg0, %c0_i32 : i32, i32
  }
  func.func @transform_3(%arg0: i32) -> (i32, i32) {
    %c0_i32 = arith.constant 0 : i32
    %c0_i32_0 = arith.constant 0 : i32
    return %arg0, %c0_i32 : i32, i32
  }
  func.func @transform_4(%arg0: i32) -> (i32, i32) {
    %c0_i32 = arith.constant 0 : i32
    %c0_i32_0 = arith.constant 0 : i32
    %c0_i32_1 = arith.constant 0 : i32
    return %c0_i32, %c0_i32_0 : i32, i32
  }
  func.func @transform_5(%arg0: i32) -> (i32, i32) {
    %c0_i32 = arith.constant 0 : i32
    %c0_i32_0 = arith.constant 0 : i32
    return %arg0, %c0_i32 : i32, i32
  }
}

module attributes {stable_mosaic.version = 14 : i64} {
  func.func @_out_body(%arg0: i32, %arg1: memref<320x128xf32, #tpu.memory_space<vmem>>, %arg2: memref<320x128xf32, #tpu.memory_space<vmem>>, %arg3: memref<320x128xf32, #tpu.memory_space<vmem>>, %arg4: memref<320x128xf32, #tpu.memory_space<vmem>>, %arg5: memref<128x512xf32, #tpu.memory_space<vmem>>, %arg6: memref<1x512xf32, #tpu.memory_space<vmem>>, %arg7: memref<512x512xf32, #tpu.memory_space<vmem>>, %arg8: memref<320x512xf32, #tpu.memory_space<vmem>>) attributes {dimension_semantics = [#tpu.dimension_semantics<arbitrary>], iteration_bounds = array<i64: 4>, scalar_prefetch = 0 : i64, scratch_operands = 0 : i64, tpu.core_type = #tpu.core_type<tc>, window_params = [{transform_indices = @transform_0, window_bounds = array<i64: 320, 128>}, {transform_indices = @transform_1, window_bounds = array<i64: 320, 128>}, {transform_indices = @transform_2, window_bounds = array<i64: 320, 128>}, {transform_indices = @transform_3, window_bounds = array<i64: 320, 128>}, {pipeline_mode = #tpu.pipeline_mode<synchronous>, transform_indices = @transform_4, window_bounds = array<i64: 128, 512>}, {pipeline_mode = #tpu.pipeline_mode<synchronous>, transform_indices = @transform_5, window_bounds = array<i64: 1, 512>}, {pipeline_mode = #tpu.pipeline_mode<synchronous>, transform_indices = @transform_6, window_bounds = array<i64: 512, 512>}, {transform_indices = @transform_7, window_bounds = array<i64: 320, 512>}]} {
    %get3A = arith.constant 0 : index
    %get3A_0 = arith.constant 0 : index
    %get3A_1 = vector.load %arg4[%get3A, %get3A_0] : memref<320x128xf32, #tpu.memory_space<vmem>>, vector<320x128xf32>
    %get3A_2 = arith.constant 0 : index
    %get3A_3 = arith.constant 0 : index
    %get3A_4 = vector.load %arg1[%get3A_2, %get3A_3] : memref<320x128xf32, #tpu.memory_space<vmem>>, vector<320x128xf32>
    %get3A_5 = arith.constant 0 : index
    %get3A_6 = arith.constant 0 : index
    %get3A_7 = vector.load %arg2[%get3A_5, %get3A_6] : memref<320x128xf32, #tpu.memory_space<vmem>>, vector<320x128xf32>
    %add3A = arith.addf %get3A_4, %get3A_7 : vector<320x128xf32>
    %get3A_8 = arith.constant 0 : index
    %get3A_9 = arith.constant 0 : index
    %get3A_10 = vector.load %arg3[%get3A_8, %get3A_9] : memref<320x128xf32, #tpu.memory_space<vmem>>, vector<320x128xf32>
    %add3A_11 = arith.addf %add3A, %get3A_10 : vector<320x128xf32>
    %mul3A = arith.mulf %get3A_1, %add3A_11 : vector<320x128xf32>
    %get3A_12 = arith.constant 0 : index
    %get3A_13 = arith.constant 0 : index
    %get3A_14 = vector.load %arg5[%get3A_12, %get3A_13] : memref<128x512xf32, #tpu.memory_space<vmem>>, vector<128x512xf32>
    %dot_general3A = arith.constant dense<0.000000e+00> : vector<320x512xf32>
    %dot_general3A_15 = tpu.matmul %mul3A, %get3A_14, %dot_general3A {dimension_numbers = #tpu.dot_dimension_numbers<[1], [0], [0], [1], [0, 0, 1, 1], [], []>, transpose_lhs_hint = false} : vector<320x128xf32>, vector<128x512xf32>, vector<320x512xf32> -> vector<320x512xf32>
    %get3A_16 = arith.constant 0 : index
    %get3A_17 = arith.constant 0 : index
    %get3A_18 = vector.load %arg6[%get3A_16, %get3A_17] : memref<1x512xf32, #tpu.memory_space<vmem>>, vector<1x512xf32>
    %add3A_19 = vector.broadcast %get3A_18 : vector<1x512xf32> to vector<320x512xf32>
    %add3A_20 = arith.addf %dot_general3A_15, %add3A_19 : vector<320x512xf32>
    %reduce_max3A = arith.constant dense<0xFF800000> : vector<320xf32>
    %reduce_max3A_21 = vector.multi_reduction <maximumf>, %add3A_20, %reduce_max3A [1] : vector<320x512xf32> to vector<320xf32>
    %broadcast_in_dim3A = vector.shape_cast %reduce_max3A_21 : vector<320xf32> to vector<320x1xf32>
    %sub3A = vector.broadcast %broadcast_in_dim3A : vector<320x1xf32> to vector<320x512xf32>
    %sub3A_22 = arith.subf %add3A_20, %sub3A : vector<320x512xf32>
    %exp3A = math.exp %sub3A_22 : vector<320x512xf32>
    %get3A_23 = arith.constant 0 : index
    %get3A_24 = arith.constant 0 : index
    %get3A_25 = vector.load %arg7[%get3A_23, %get3A_24] : memref<512x512xf32, #tpu.memory_space<vmem>>, vector<512x512xf32>
    %dot_general3A_26 = arith.constant dense<0.000000e+00> : vector<320x512xf32>
    %dot_general3A_27 = tpu.matmul %exp3A, %get3A_25, %dot_general3A_26 {dimension_numbers = #tpu.dot_dimension_numbers<[1], [0], [0], [1], [0, 0, 1, 1], [], []>, transpose_lhs_hint = false} : vector<320x512xf32>, vector<512x512xf32>, vector<320x512xf32> -> vector<320x512xf32>
    %sub3A_28 = vector.broadcast %broadcast_in_dim3A : vector<320x1xf32> to vector<320x512xf32>
    %sub3A_29 = arith.subf %add3A_20, %sub3A_28 : vector<320x512xf32>
    %log3A = math.log %dot_general3A_27 : vector<320x512xf32>
    %sub3A_30 = arith.subf %sub3A_29, %log3A : vector<320x512xf32>
    %swap3A = arith.constant 0 : index
    %swap3A_31 = arith.constant 0 : index
    %swap3A_32 = vector.load %arg8[%swap3A, %swap3A_31] : memref<320x512xf32, #tpu.memory_space<vmem>>, vector<320x512xf32>
    tpu.vector_store %arg8[%swap3A, %swap3A_31], %sub3A_30 {strides = array<i32>} : memref<320x512xf32, #tpu.memory_space<vmem>>, vector<320x512xf32>,
    return
  }
  func.func @transform_0(%arg0: i32) -> (i32, i32) {
    %c0_i32 = arith.constant 0 : i32
    %c0_i32_0 = arith.constant 0 : i32
    return %arg0, %c0_i32 : i32, i32
  }
  func.func @transform_1(%arg0: i32) -> (i32, i32) {
    %add3A = arith.constant 4 : i32
    %add3A_0 = arith.addi %arg0, %add3A : i32
    %c0_i32 = arith.constant 0 : i32
    %c0_i32_1 = arith.constant 0 : i32
    return %add3A_0, %c0_i32 : i32, i32
  }
  func.func @transform_2(%arg0: i32) -> (i32, i32) {
    %c0_i32 = arith.constant 0 : i32
    %c0_i32_0 = arith.constant 0 : i32
    return %arg0, %c0_i32 : i32, i32
  }
  func.func @transform_3(%arg0: i32) -> (i32, i32) {
    %c0_i32 = arith.constant 0 : i32
    %c0_i32_0 = arith.constant 0 : i32
    return %arg0, %c0_i32 : i32, i32
  }
  func.func @transform_4(%arg0: i32) -> (i32, i32) {
    %c0_i32 = arith.constant 0 : i32
    %c0_i32_0 = arith.constant 0 : i32
    %c0_i32_1 = arith.constant 0 : i32
    return %c0_i32, %c0_i32_0 : i32, i32
  }
  func.func @transform_5(%arg0: i32) -> (i32, i32) {
    %c0_i32 = arith.constant 0 : i32
    %c0_i32_0 = arith.constant 0 : i32
    %c0_i32_1 = arith.constant 0 : i32
    return %c0_i32, %c0_i32_0 : i32, i32
  }
  func.func @transform_6(%arg0: i32) -> (i32, i32) {
    %c0_i32 = arith.constant 0 : i32
    %c0_i32_0 = arith.constant 0 : i32
    %c0_i32_1 = arith.constant 0 : i32
    return %c0_i32, %c0_i32_0 : i32, i32
  }
  func.func @transform_7(%arg0: i32) -> (i32, i32) {
    %c0_i32 = arith.constant 0 : i32
    %c0_i32_0 = arith.constant 0 : i32
    return %arg0, %c0_i32 : i32, i32
  }
}

</mosaic_0001>

<sc_bundles>
// kernel: kernel.10.cloned.1.call-start
scs
__scs_entry_jumppad:
0x0: {  	(pc) =	sbr.rel $0x88, $3  }
0x1: {  	(tag) =	ssettag $0x0;
	lr =	simm.s32 $0x1  }
0x2: {  	[smem:$0x3F9B] =	sst lr;
	_ =	strace $0xD0000000  }
0x3: {  	_ = 	snop  }
0x4: {  	_ = 	snop  }
0x5: {  	_ = 	snop  }
0x6: {  	_ = 	snop  }
0x7: {  	_ = 	snop  }
__scs_overlays_trampoline_lowered:
0x8: {  	[smem:$0x3FAA] =	sst s0  }
0x9: {  	[smem:$0x3FAB] =	sst s1  }
0xa: {  	[smem:$0x3FAC] =	sst s2  }
0xb: {  	[smem:$0x3FAD] =	sst s3  }
0xc: {  	[smem:$0x3FAE] =	sst s4  }
0xd: {  	[smem:$0x3FAF] =	sst s5  }
0xe: {  	[smem:$0x3FB0] =	sst s6  }
0xf: {  	[smem:$0x3FB1] =	sst s7  }
0x10: {  	[smem:$0x3FB2] =	sst s8  }
0x11: {  	[smem:$0x3FB3] =	sst s9;
	s0 =	simm.s32 @!p0 $0x0  }
0x12: {  	s1 =	sld [smem:$0x3F99];
	s0 =	simm.s32 @p0 $0x1  }
0x13: {  	[smem:$0x3FB4] =	sst s0;
	s0 =	simm.s32 @!p1 $0x0  }
0x14: {  	s2 =	sld [smem:$0x3F98];
	s0 =	simm.s32 @p1 $0x1  }
0x15: {  	[smem:$0x3FB5] =	sst s0;
	s0 =	simm.s32 @!p2 $0x0  }
0x16: {  	s3 =	sld [smem:$0x3FDB];
	s0 =	simm.s32 @p2 $0x1  }
0x17: {  	s4 =	simm.s32 $0x1BF5;
	[smem:$0x3FB7] =	sst s0  }
0x18: {  	s0 =	sld [smem:$0x3F9A];
	_ =	swait.ge [sflag:s4], $0x0  }
0x19: {  	s7 =	sld [smem:$0x3F9B]  }
0x1a: {  	s8 =	sadd.s32 $0xFFFFE003, lr  }
0x1b: {  	s9 =	sadd.s32 $0xFFFFFEF7, lr;
	s5 =	simm.s32 $0xFFFFFFFF;
	p2 =	slt.u32 s8, $0xFFFFF086  }
0x1c: {  	p1 =	slt.u32 s9, $0xF7A;
	s5 =	simm.s32 @!p2 $0x0  }
0x1d: {  	s5 =	simm.s32 @p1 $0x1;
	p0 =	seq.s32 s7, s2  }
0x1e: {  	s7 =	smul.u32 @!p0 $0xF7A, s2;
	p2 =	seq.s32 @!p0 s5, $0x0  }
0x1f: {  	s9 =	smul.u32 $0xF7A, s1;
	s8 =	simm.s32 @!p0 $0x1BF5;
	p2 =	por !p2, p0  }
0x20: {  	[sflag:s8] =	ssyncset.s32 @!p0 $0xFFFFF086;
	s6 =	sadd.s32 @!p0 s3, s7;
	s7 =	simm.s32 @!p0 $0x108  }
0x21: {  	s3 =	sadd.s32 s3, s9;
	s6 =	sadd.s32 @!p0 $0x88, s6;
	s7 =	simm.s32 @p2 $0x1082  }
0x22: {  	[simem:s7], [sflag:s8] =	dma.local @!p0 [hbm:s6], $0xF7A  }
0x23: {  	s9 =	sor.u32 $0xD0000000, s2;
	s6 =	simm.s32 $0x108;
	_ =	swait.ge @!p0 [sflag:s8], $0x0  }
0x24: {  	s3 =	sadd.s32 $0x88, s3;
	s6 =	simm.s32 @!p1 $0x1082;
	[sflag:s4] =	ssyncset.s32 $0xFFFFF086  }
0x25: {  	[simem:s6], [sflag:s4] =	dma.local [hbm:s3], $0xF7A  }
0x26: {  	[smem:$0x3F9B] =	sst s1;
	(tag) =	ssettag s2;
	_ =	strace s9  }
0x27: {  	s1 =	sld [smem:$0x3FAB]  }
0x28: {  	s2 =	sld [smem:$0x3FAC]  }
0x29: {  	s4 =	sld [smem:$0x3FAE]  }
0x2a: {  	p0 =	seq.s32 s5, $0x0;
	s5 =	sld [smem:$0x3FAF]  }
0x2b: {  	s6 =	sld [smem:$0x3FB0]  }
0x2c: {  	s7 =	sld [smem:$0x3FB1]  }
0x2d: {  	s3 =	simm.s32 $0x108;
	s8 =	sld [smem:$0x3FB2]  }
0x2e: {  	s3 =	simm.s32 @!p0 $0x1082;
	s9 =	sld [smem:$0x3FB3]  }
0x2f: {  	lr =	sadd.s32 s0, s3;
	s0 =	sld [smem:$0x3FAA]  }
0x30: {  	s3 =	sld [smem:$0x3FAD]  }
0x31: {  	[smem:$0x3FB6] =	sst s10  }
0x32: {  	s10 =	sld [smem:$0x3FB4];
	_ =	sdelay $0x3  }
0x33: {  	p0 =	seq.s32 s10, $0x1;
	s10 =	sld [smem:$0x3FB6];
	_ =	sdelay $0x3  }
0x34: {  	[smem:$0x3FB6] =	sst s10  }
0x35: {  	s10 =	sld [smem:$0x3FB5];
	_ =	sdelay $0x3  }
0x36: {  	p1 =	seq.s32 s10, $0x1;
	s10 =	sld [smem:$0x3FB6];
	_ =	sdelay $0x3  }
0x37: {  	[smem:$0x3FB6] =	sst s10  }
0x38: {  	s10 =	sld [smem:$0x3FB7]  }
0x39: {  	_ = 	snop;
	(pc) =	sbr.ind lr, $3  }
0x3a: {  	_ = 	snop  }
0x3b: {  	_ = 	snop  }
0x3c: {  	p2 =	seq.s32 s10, $0x1;
	s10 =	sld [smem:$0x3FB6]  }
0x3d: {  	_ =	shalt  }
0x3e: {  	_ =	shalt  }
0x3f: {  	_ =	shalt  }
0x40: {  	_ =	shalt  }
0x41: {  	_ =	shalt  }
0x42: {  	_ =	shalt  }
0x43: {  	_ =	shalt  }
0x44: {  	_ =	shalt  }
0x45: {  	_ =	shalt  }
0x46: {  	_ =	shalt  }
0x47: {  	_ =	shalt  }
0x48: {  	_ =	shalt  }
0x49: {  	_ =	shalt  }
0x4a: {  	_ =	shalt  }
0x4b: {  	_ =	shalt  }
0x4c: {  	_ =	shalt  }
0x4d: {  	_ =	shalt  }
0x4e: {  	_ =	shalt  }
0x4f: {  	_ =	shalt  }
0x50: {  	_ =	shalt  }
0x51: {  	_ =	shalt  }
0x52: {  	_ =	shalt  }
0x53: {  	_ =	shalt  }
0x54: {  	_ =	shalt  }
0x55: {  	_ =	shalt  }
0x56: {  	_ =	shalt  }
0x57: {  	_ =	shalt  }
0x58: {  	_ =	shalt  }
0x59: {  	_ =	shalt  }
0x5a: {  	_ =	shalt  }
0x5b: {  	_ =	shalt  }
0x5c: {  	_ =	shalt  }
0x5d: {  	_ =	shalt  }
0x5e: {  	_ =	shalt  }
0x5f: {  	_ =	shalt  }
0x60: {  	_ =	shalt  }
0x61: {  	_ =	shalt  }
0x62: {  	_ =	shalt  }
0x63: {  	_ =	shalt  }
0x64: {  	_ =	shalt  }
0x65: {  	_ =	shalt  }
0x66: {  	_ =	shalt  }
0x67: {  	_ =	shalt  }
0x68: {  	_ =	shalt  }
0x69: {  	_ =	shalt  }
0x6a: {  	_ =	shalt  }
0x6b: {  	_ =	shalt  }
0x6c: {  	_ =	shalt  }
0x6d: {  	_ =	shalt  }
0x6e: {  	_ =	shalt  }
0x6f: {  	_ =	shalt  }
0x70: {  	_ =	shalt  }
0x71: {  	_ =	shalt  }
0x72: {  	_ =	shalt  }
0x73: {  	_ =	shalt  }
0x74: {  	_ =	shalt  }
0x75: {  	_ =	shalt  }
0x76: {  	_ =	shalt  }
0x77: {  	_ =	shalt  }
0x78: {  	_ =	shalt  }
0x79: {  	_ =	shalt  }
0x7a: {  	_ =	shalt  }
0x7b: {  	_ =	shalt  }
0x7c: {  	_ =	shalt  }
0x7d: {  	_ =	shalt  }
0x7e: {  	_ =	shalt  }
0x7f: {  	_ =	shalt  }
0x80: {  	_ =	shalt  }
0x81: {  	_ =	shalt  }
0x82: {  	_ =	shalt  }
0x83: {  	_ =	shalt  }
0x84: {  	_ =	shalt  }
0x85: {  	_ =	shalt  }
0x86: {  	_ =	shalt  }
0x87: {  	_ =	shalt  }
.Lfunc_end0:
.L_simem_size_0:
called_computation_lowered:
.L_overlay_start_0:
0x88: {  	s2 =	sld [smem:$0x3FD9]  }
0x89: {  	s3 =	sld [smem:$0x3FFE];
	_ =	sdelay $0x1  }
0x8a: {  	s1 =	srdreg.scid  }
0x8b: {  	s0 =	sand.u32 $0x1, s1  }
0x8c: {  	s17 =	sshll.u32 s0, $0xA;
	s2 =	sadd.s32 s3, s2  }
0x8d: {  	s2 =	sadd.s32 s2, s17  }
0x8e: {  	[smem:$0x3FC2] =	sst s2  }
0x8f: {  	_ = 	snop  }
0x90: {  	s2 =	sld [smem:$0x3FD0];
	(tm) =	ssettm $0x1  }
0x91: {  	s18 =	sld [smem:$0x3FFB];
	_ =	sdelay $0x3  }
0x92: {  	_ =	strace s18  }
0x93: {  	s3 =	sld [smem:$0x3FFC];
	_ =	sdelay $0x3  }
0x94: {  	_ =	strace s3  }
0x95: {  	s3 =	sld [smem:$0x3FFD];
	_ =	sdelay $0x3  }
0x96: {  	_ =	strace s3  }
0x97: {  	_ =	strace $0x8FFFFFFF  }
0x98: {  	s19 =	sld [smem:$0x3FDB];
	_ =	sdelay $0x1  }
0x99: {  	s4 =	simm.s32 $_scs_section_size  }
0x9a: {  	s5 =	simm.s32 $_size__tile_overlayer_lowered;
	s6 =	simm.s32 $_tile_overlayer_lowered  }
0x9b: {  	s22 =	simm.s32 $0x1BFF;
	s21 =	sshll.u32 s6, $0x1;
	s3 =	sadd.s32 s4, s19  }
0x9c: {  	s7 =	simm.s32 $0x0;
	s20 =	sshll.u32 s5, $0x1;
	s5 =	sadd.s32 s21, s3  }
0x9d: {  	[timem:s7], [sflag:s22] =	dma.local [hbm:s5], s20  }
0x9e: {  	_ =	swait.ge [sflag:s22], s20  }
0x9f: {  	s4 =	ssub.s32 $0x0, s20;
	[sflag:s22] =	ssyncset.done $0x0  }
0xa0: {  	[sflag:s22] =	ssyncadd.s32 s4;
	_ =	sdelay $0x1  }
0xa1: {  	s23 =	simm.s32 $0x1B8B  }
0xa2: {  	_ =	swait.ge [sflag:s23], $0x1  }
0xa3: {  	[sflag:s23] =	ssyncset.done $0x0  }
0xa4: {  	s25 =	simm.s32 $0x1B8E;
	s24 =	sld [smem:$0x3FFE];
	[sflag:s23] =	ssyncadd.s32 $0xFFFFFFFF  }
0xa5: {  	s26 =	simm.s32 $execute0_lowered;
	[smem:$0x3FD2] =	sst s25  }
0xa6: {  	s5 =	sshll.u32 s26, $0x1;
	_ =	strace $0x80000046;
	[dreg:$0x1] =	wrdreg $0xFFFFFFFF  }
0xa7: {  	s28 =	simm.s32 $_size_execute0_lowered;
	s3 =	sadd.s32 s3, s5;
	[dreg:$0x0] =	wrdreg $0x0  }
0xa8: {  	s5 =	sshll.u32 s28, $0x1;
	[dreg:$0x2] =	wrdreg s3  }
0xa9: {  	[dreg:$0x3] =	wrdreg s5  }
0xaa: {  	[dreg:$0x4] =	wrdreg $0xC0  }
0xab: {  	_ =	task [dreg:s7], $0x5FFFF  }
0xac: {  	[dreg:$0x1] =	wrdreg $0xFFFFFFFF  }
0xad: {  	[dreg:$0x0] =	wrdreg $0x60  }
0xae: {  	[dreg:$0x2] =	wrdreg s24  }
0xaf: {  	[dreg:$0x3] =	wrdreg s2  }
0xb0: {  	[dreg:$0x4] =	wrdreg $0x1AF900  }
0xb1: {  	[dreg:$0x5] =	wrdreg $0x9  }
0xb2: {  	_ =	task.clear_ibuf [dreg:s7], $0x6FFFF;
	_ =	strace $0x90000046  }
0xb3: {  	s29 =	simm.s32 $0x9;
	_ =	strace $0x80000048  }
0xb4: {  	_ =	swait.ge [sflag:s29], $0x1  }
0xb5: {  	[sflag:s29] =	ssyncadd.s32 $0xFFFFFFFF  }
0xb6: {  	_ =	strace $0x90000048  }
0xb7: {  	_ =	sfence  }
0xb8: {  	s30 =	sld [smem:$0x0];
	_ =	sdelay $0x2  }
0xb9: {  	s31 =	sshll.u32 s1, $0xD;
	s1 =	sshrl.u32 s1, $0x2  }
0xba: {  	s3 =	sand.u32 $0x4000, s31;
	s1 =	sadd.s32 s1, s30  }
0xbb: {  	s0 =	sor.u32 s3, s0;
	s1 =	sshll.u32 s1, $0x11  }
0xbc: {  	s0 =	sor.u32 s1, s0  }
0xbd: {  	s0 =	sadd.s32 $0x8F2B, s0  }
0xbe: {  	[sflag:s0] =	ssyncadd.remote.s32 $0x1  }
0xbf: {  	_ =	sfence.sel $0xFFFF  }
0xc0: {  	[dreg:$0x0] =	wrdreg $0xFFFFFFFF;
	(pc) =	sbr.abs _section_cstart, $3  }
0xc1: {  	[dreg:$0x1] =	wrdreg $0xFFFFFFFF  }
0xc2: {  	_ =	task.clear_ibuf [dreg:s7], $0x2FFFF;
	_ =	strace $0x9FFFFFFF  }
0xc3: {  	(tm) =	ssettm $0x7FFFFFFF  }
tec
execute0_lowered:
.L_overlay_start_1:
0x0: {  	(tag) =	ssettag $0x1  }
0x1: {  	s5 =	rddreg [dreg:$0x0]  }
0x2: {  	s10 =	rddreg [dreg:$0x1]  }
0x3: {  	s2 =	rddreg [dreg:$0x2]  }
0x4: {  	s0 =	rddreg [dreg:$0x3]  }
0x5: {  	s3 =	simm.s32 $0x0;
	s1 =	stileid.u32;
	s7 =	srdreg.scid  }
0x6: {  	s15 =	simm.s32 $0x2710;
	s16 =	simm.s32 $0x1;
	s17 =	simm.s32 $0x15F90  }
0x7: {  	s18 =	simm.s32 $0x18790;
	s19 =	simm.s32 $0x0;
	[smem:$0x7FF] =	sst s3  }
0x8: {  	s6 =	smul.u32 $0x2800, s1;
	s4 =	sadd.s32 $0xC800, s5;
	s7 =	sand.u32 $0x1, s7  }
0x9: {  	s8 =	sshll.u32 s1, $0x1;
	s14 =	sadd.s32 $0x2A00, s5;
	s30 =	smul.u32 $0x500, s1  }
0xa: {  	s31 =	sshll.u32 s1, $0x6;
	_ =	strace $0x80000047;
	s11 =	ssub.s32 $0x2, s7  }
0xb: {  	s8 =	sor.u32 s7, s8;
	s29 =	smul.u32 $0x5000, s7;
	s7 =	sor.u32 $0x1C02, s31  }
0xc: {  	s9 =	sshrl.u32 s6, $0x3;
	s12 =	sshrl.u32 s11, $0x1;
	s13 =	smul.u32 $0x1388, s8  }
0xd: {  	s8 =	smul.u32 $0x271, s8;
	s9 =	sadd.s32 s9, s5;
	s11 =	ssub.s32 s11, s12  }
0xe: {  	s5 =	sadd.s32 s6, s2;
	s12 =	sadd.s32 s30, s29;
	s6 =	sadd.s32 $0x11800, s9  }
0xf: {  	s13 =	sshrl.u32 s13, $0x3;
	s8 =	sadd.s32 s14, s8;
	s10 =	sadd.s32 s10, s12  }
0x10: {  	s11 =	smax.u32 s11, $0x1;
	s12 =	sshrl.u32 s5, $0x3;
	s13 =	sadd.s32 s14, s13  }
0x11: {  	s14 =	simm.s32 $0x1388;
	s9 =	sadd.s32 $0x4E20, s13;
	s13 =	simm.s32 $0x2  }
.LBB2_1:
0x12: {  	[spmem:s12], [sflag:s7] =	dma.local [hbm:s6], $0x500  }
0x13: {  	_ =	swait.ge [sflag:s13], $0x500  }
0x14: {  	[sflag:s13] =	ssyncset.done $0x0  }
0x15: {  	[sflag:s13] =	ssyncadd.s32 $0xFFFFFB00  }
0x16: {  	[tilespmem:s3], [sflag:$0x2] =	stream.linear.gather [hbm4b:s8+s3], $0x1388, $0x38;
	[tilespmem:$0x1D790] =	vst v63  }
0x17: {  	_ =	swait.ge [sflag:s13], $0x1388  }
0x18: {  	[sflag:s13] =	ssyncset.done $0x0  }
0x19: {  	[sflag:s13] =	ssyncadd.s32 $0xFFFFEC78  }
0x1a: {  	[tilespmem:s14], [sflag:$0x2] =	stream.linear.gather [hbm4b:s9+s3], $0x1388, $0x38;
	[tilespmem:$0x1D790] =	vst v63  }
0x1b: {  	_ =	swait.ge [sflag:s13], $0x1388  }
0x1c: {  	[sflag:s13] =	ssyncset.done $0x0  }
0x1d: {  	[sflag:s13] =	ssyncadd.s32 $0xFFFFEC78  }
0x1e: {  	[bflag:$0x0] =	sbarrier.arrive $0xFFFF  }
0x1f: {  	[tilespmem:s15], [sflag:$0x1] =	stream.indirect.gather [hbm4b:s4+s14], $0x10, s3, s14, $0xb8;
	[tilespmem:$0x1D790] =	vst v63  }
0x20: {  	_ =	swait.ge [sflag:s16], $0x13880  }
0x21: {  	[sflag:s16] =	ssyncset.done $0x0  }
0x22: {  	[sflag:s16] =	ssyncadd.s32 $0xFFFEC780  }
0x23: {  	[spmem:s2] =	stream.indirect.scatter.add.f32 [tilespmem:s15], [sflag:$0x2], $0x10, s14, s14, $0xb8;
	[tilespmem:$0x1D790] =	vst v63  }
0x24: {  	_ =	swait.ge [sflag:s13], $0x13880  }
0x25: {  	[sflag:s13] =	ssyncset.done $0x0  }
0x26: {  	[sflag:s13] =	ssyncadd.s32 $0xFFFEC780  }
0x27: {  	[bflag:$0x0] =	sbarrier.arrive $0xFFFF  }
0x28: {  	[tilespmem:s17], [sflag:$0x2] =	stream.linear.gather [spmem:s5], $0x2800, $0x38;
	[tilespmem:$0x1D790] =	vst v63  }
0x29: {  	_ =	swait.ge [sflag:s13], $0x2800  }
0x2a: {  	[sflag:s13] =	ssyncset.done $0x0  }
0x2b: {  	s21 =	simm.s32 $0x0;
	[sflag:s13] =	ssyncadd.s32 $0xFFFFD800  }
0x2c: {  	v0 =	vld [tilespmem:s21+$0x15F90]  }
0x2d: {  	s20 =	sand.u32 $0xFE00, s3  }
0x2e: {  	s22 =	sand.u32 $0x70, s3;
	s23 =	sshrl.u32 s20, $0x2  }
0x2f: {  	s20 =	simm.s32 $0x10;
	s22 =	sor.u32 s22, s23;
	s21 =	simm.s32 $0x40  }
.LBB2_2:
0x30: {  	s23 =	sshra.s32 s21, $0x2  }
0x31: {  	p0 =	sne.s32 s20, $0x27F0;
	[tilespmem:s22+$0x18790] =	vst v0;
	s22 =	smov.u32 s20;
	s20 =	sadd.s32 $0x10, s20  }
.Ltmp0:
0x32: {  	v0 =	vld [tilespmem:s23+$0x15F90];
	(pc) =	sbr.rel @p0 .LBB2_2-.Ltmp0, $4  }
0x33: {  	_ = 	snop  }
0x34: {  	s23 =	sand.u32 $0xFE00, s21  }
0x35: {  	s22 =	sand.u32 $0x70, s22;
	s23 =	sshrl.u32 s23, $0x2  }
0x36: {  	s21 =	sadd.s32 $0x40, s21;
	s22 =	sor.u32 s22, s23  }
0x37: {  	s19 =	sadd.s32 $0x1, s19  }
0x38: {  	p0 =	sne.s32 s19, s11  }
.Ltmp1:
0x39: {  	[tilespmem:s22+$0x18790] =	vst v0;
	(pc) =	sbr.rel @p0 .LBB2_1-.Ltmp1, $4  }
0x3a: {  	[hbm4b:s10+s3] =	stream.linear.scatter [tilespmem:s18], [sflag:$0x2], $0x2800, $0x38;
	[tilespmem:$0x1D790] =	vst v63  }
0x3b: {  	_ =	swait.ge [sflag:s13], $0x2800  }
0x3c: {  	[sflag:s13] =	ssyncset.done $0x0  }
0x3d: {  	[sflag:s13] =	ssyncadd.s32 $0xFFFFD800  }
0x3e: {  	_ =	sfence.sel $0x180000  }
0x3f: {  	[bflag:$0x0] =	sbarrier.arrive $0xFFFF  }
0x40: {  	p0 =	sne.s32 s1, $0x0;
	_ =	strace $0x90000047  }
0x41: {  	s0 =	sadd.s32 @!p0 $0x100000, s0;
	[bflag:$0x2] =	sbarrier.arrive $0xFFFF  }
0x42: {  	[sflag:s0] =	ssyncadd.tile.s32 @!p0 $0x1;
	_ =	shalt  }
.Lfunc_end2:
_tile_overlayer_lowered:
.L_overlay_start_2:
0x43: {  	(tag) =	ssettag $0x2  }
0x44: {  	s0 =	rddreg [dreg:$0x0];
	s2 =	stileid.u32  }
0x45: {  	s1 =	rddreg [dreg:$0x1];
	p0 =	sne.s32 s2, $0x0  }
0x46: {  	s3 =	rddreg [dreg:$0x2];
	[bflag:$0x3] =	sbarrier.arrive $0xFFFF;
	s2 =	simm.s32 @!p0 $0x1C02  }
0x47: {  	[timem:s3], [sflag:s2] =	dma.local @!p0 [hbm:s0], s1  }
0x48: {  	s0 =	simm.s32 @!p0 $0x2  }
0x49: {  	_ =	swait.ge @!p0 [sflag:s0], s1  }
0x4a: {  	s1 =	ssub.s32 @!p0 $0x0, s1;
	[sflag:s0] =	ssyncset.done @!p0 $0x0  }
0x4b: {  	[sflag:s0] =	ssyncadd.s32 @!p0 s1  }
0x4c: {  	[bflag:$0x3] =	sbarrier.arrive $0xFFFF  }
0x4d: {  	_ =	shalt  }

// kernel: kernel.13.cloned.1.call-start
scs
__scs_entry_jumppad:
0x0: {  	(pc) =	sbr.rel $0x88, $3  }
0x1: {  	(tag) =	ssettag $0x0;
	lr =	simm.s32 $0x1  }
0x2: {  	[smem:$0x3F9B] =	sst lr;
	_ =	strace $0xD0000000  }
0x3: {  	_ = 	snop  }
0x4: {  	_ = 	snop  }
0x5: {  	_ = 	snop  }
0x6: {  	_ = 	snop  }
0x7: {  	_ = 	snop  }
__scs_overlays_trampoline_lowered:
0x8: {  	[smem:$0x3FAA] =	sst s0  }
0x9: {  	[smem:$0x3FAB] =	sst s1  }
0xa: {  	[smem:$0x3FAC] =	sst s2  }
0xb: {  	[smem:$0x3FAD] =	sst s3  }
0xc: {  	[smem:$0x3FAE] =	sst s4  }
0xd: {  	[smem:$0x3FAF] =	sst s5  }
0xe: {  	[smem:$0x3FB0] =	sst s6  }
0xf: {  	[smem:$0x3FB1] =	sst s7  }
0x10: {  	[smem:$0x3FB2] =	sst s8  }
0x11: {  	[smem:$0x3FB3] =	sst s9;
	s0 =	simm.s32 @!p0 $0x0  }
0x12: {  	s1 =	sld [smem:$0x3F99];
	s0 =	simm.s32 @p0 $0x1  }
0x13: {  	[smem:$0x3FB4] =	sst s0;
	s0 =	simm.s32 @!p1 $0x0  }
0x14: {  	s2 =	sld [smem:$0x3F98];
	s0 =	simm.s32 @p1 $0x1  }
0x15: {  	[smem:$0x3FB5] =	sst s0;
	s0 =	simm.s32 @!p2 $0x0  }
0x16: {  	s3 =	sld [smem:$0x3FDB];
	s0 =	simm.s32 @p2 $0x1  }
0x17: {  	s4 =	simm.s32 $0x1BF5;
	[smem:$0x3FB7] =	sst s0  }
0x18: {  	s0 =	sld [smem:$0x3F9A];
	_ =	swait.ge [sflag:s4], $0x0  }
0x19: {  	s7 =	sld [smem:$0x3F9B]  }
0x1a: {  	s8 =	sadd.s32 $0xFFFFE003, lr  }
0x1b: {  	s9 =	sadd.s32 $0xFFFFFEF7, lr;
	s5 =	simm.s32 $0xFFFFFFFF;
	p2 =	slt.u32 s8, $0xFFFFF086  }
0x1c: {  	p1 =	slt.u32 s9, $0xF7A;
	s5 =	simm.s32 @!p2 $0x0  }
0x1d: {  	s5 =	simm.s32 @p1 $0x1;
	p0 =	seq.s32 s7, s2  }
0x1e: {  	s7 =	smul.u32 @!p0 $0xF7A, s2;
	p2 =	seq.s32 @!p0 s5, $0x0  }
0x1f: {  	s9 =	smul.u32 $0xF7A, s1;
	s8 =	simm.s32 @!p0 $0x1BF5;
	p2 =	por !p2, p0  }
0x20: {  	[sflag:s8] =	ssyncset.s32 @!p0 $0xFFFFF086;
	s6 =	sadd.s32 @!p0 s3, s7;
	s7 =	simm.s32 @!p0 $0x108  }
0x21: {  	s3 =	sadd.s32 s3, s9;
	s6 =	sadd.s32 @!p0 $0x88, s6;
	s7 =	simm.s32 @p2 $0x1082  }
0x22: {  	[simem:s7], [sflag:s8] =	dma.local @!p0 [hbm:s6], $0xF7A  }
0x23: {  	s9 =	sor.u32 $0xD0000000, s2;
	s6 =	simm.s32 $0x108;
	_ =	swait.ge @!p0 [sflag:s8], $0x0  }
0x24: {  	s3 =	sadd.s32 $0x88, s3;
	s6 =	simm.s32 @!p1 $0x1082;
	[sflag:s4] =	ssyncset.s32 $0xFFFFF086  }
0x25: {  	[simem:s6], [sflag:s4] =	dma.local [hbm:s3], $0xF7A  }
0x26: {  	[smem:$0x3F9B] =	sst s1;
	(tag) =	ssettag s2;
	_ =	strace s9  }
0x27: {  	s1 =	sld [smem:$0x3FAB]  }
0x28: {  	s2 =	sld [smem:$0x3FAC]  }
0x29: {  	s4 =	sld [smem:$0x3FAE]  }
0x2a: {  	p0 =	seq.s32 s5, $0x0;
	s5 =	sld [smem:$0x3FAF]  }
0x2b: {  	s6 =	sld [smem:$0x3FB0]  }
0x2c: {  	s7 =	sld [smem:$0x3FB1]  }
0x2d: {  	s3 =	simm.s32 $0x108;
	s8 =	sld [smem:$0x3FB2]  }
0x2e: {  	s3 =	simm.s32 @!p0 $0x1082;
	s9 =	sld [smem:$0x3FB3]  }
0x2f: {  	lr =	sadd.s32 s0, s3;
	s0 =	sld [smem:$0x3FAA]  }
0x30: {  	s3 =	sld [smem:$0x3FAD]  }
0x31: {  	[smem:$0x3FB6] =	sst s10  }
0x32: {  	s10 =	sld [smem:$0x3FB4];
	_ =	sdelay $0x3  }
0x33: {  	p0 =	seq.s32 s10, $0x1;
	s10 =	sld [smem:$0x3FB6];
	_ =	sdelay $0x3  }
0x34: {  	[smem:$0x3FB6] =	sst s10  }
0x35: {  	s10 =	sld [smem:$0x3FB5];
	_ =	sdelay $0x3  }
0x36: {  	p1 =	seq.s32 s10, $0x1;
	s10 =	sld [smem:$0x3FB6];
	_ =	sdelay $0x3  }
0x37: {  	[smem:$0x3FB6] =	sst s10  }
0x38: {  	s10 =	sld [smem:$0x3FB7]  }
0x39: {  	_ = 	snop;
	(pc) =	sbr.ind lr, $3  }
0x3a: {  	_ = 	snop  }
0x3b: {  	_ = 	snop  }
0x3c: {  	p2 =	seq.s32 s10, $0x1;
	s10 =	sld [smem:$0x3FB6]  }
0x3d: {  	_ =	shalt  }
0x3e: {  	_ =	shalt  }
0x3f: {  	_ =	shalt  }
0x40: {  	_ =	shalt  }
0x41: {  	_ =	shalt  }
0x42: {  	_ =	shalt  }
0x43: {  	_ =	shalt  }
0x44: {  	_ =	shalt  }
0x45: {  	_ =	shalt  }
0x46: {  	_ =	shalt  }
0x47: {  	_ =	shalt  }
0x48: {  	_ =	shalt  }
0x49: {  	_ =	shalt  }
0x4a: {  	_ =	shalt  }
0x4b: {  	_ =	shalt  }
0x4c: {  	_ =	shalt  }
0x4d: {  	_ =	shalt  }
0x4e: {  	_ =	shalt  }
0x4f: {  	_ =	shalt  }
0x50: {  	_ =	shalt  }
0x51: {  	_ =	shalt  }
0x52: {  	_ =	shalt  }
0x53: {  	_ =	shalt  }
0x54: {  	_ =	shalt  }
0x55: {  	_ =	shalt  }
0x56: {  	_ =	shalt  }
0x57: {  	_ =	shalt  }
0x58: {  	_ =	shalt  }
0x59: {  	_ =	shalt  }
0x5a: {  	_ =	shalt  }
0x5b: {  	_ =	shalt  }
0x5c: {  	_ =	shalt  }
0x5d: {  	_ =	shalt  }
0x5e: {  	_ =	shalt  }
0x5f: {  	_ =	shalt  }
0x60: {  	_ =	shalt  }
0x61: {  	_ =	shalt  }
0x62: {  	_ =	shalt  }
0x63: {  	_ =	shalt  }
0x64: {  	_ =	shalt  }
0x65: {  	_ =	shalt  }
0x66: {  	_ =	shalt  }
0x67: {  	_ =	shalt  }
0x68: {  	_ =	shalt  }
0x69: {  	_ =	shalt  }
0x6a: {  	_ =	shalt  }
0x6b: {  	_ =	shalt  }
0x6c: {  	_ =	shalt  }
0x6d: {  	_ =	shalt  }
0x6e: {  	_ =	shalt  }
0x6f: {  	_ =	shalt  }
0x70: {  	_ =	shalt  }
0x71: {  	_ =	shalt  }
0x72: {  	_ =	shalt  }
0x73: {  	_ =	shalt  }
0x74: {  	_ =	shalt  }
0x75: {  	_ =	shalt  }
0x76: {  	_ =	shalt  }
0x77: {  	_ =	shalt  }
0x78: {  	_ =	shalt  }
0x79: {  	_ =	shalt  }
0x7a: {  	_ =	shalt  }
0x7b: {  	_ =	shalt  }
0x7c: {  	_ =	shalt  }
0x7d: {  	_ =	shalt  }
0x7e: {  	_ =	shalt  }
0x7f: {  	_ =	shalt  }
0x80: {  	_ =	shalt  }
0x81: {  	_ =	shalt  }
0x82: {  	_ =	shalt  }
0x83: {  	_ =	shalt  }
0x84: {  	_ =	shalt  }
0x85: {  	_ =	shalt  }
0x86: {  	_ =	shalt  }
0x87: {  	_ =	shalt  }
.Lfunc_end0:
.L_simem_size_0:
called_computation.1_lowered:
.L_overlay_start_0:
0x88: {  	s2 =	sld [smem:$0x3FD9]  }
0x89: {  	s3 =	sld [smem:$0x3FFE];
	_ =	sdelay $0x1  }
0x8a: {  	s1 =	srdreg.scid  }
0x8b: {  	s0 =	sand.u32 $0x1, s1  }
0x8c: {  	s17 =	sshll.u32 s0, $0xA;
	s2 =	sadd.s32 s3, s2  }
0x8d: {  	s2 =	sadd.s32 s2, s17  }
0x8e: {  	[smem:$0x3FC2] =	sst s2  }
0x8f: {  	_ = 	snop  }
0x90: {  	s2 =	sld [smem:$0x3FD0];
	(tm) =	ssettm $0x1  }
0x91: {  	s18 =	sld [smem:$0x3FFB];
	_ =	sdelay $0x3  }
0x92: {  	_ =	strace s18  }
0x93: {  	s3 =	sld [smem:$0x3FFC];
	_ =	sdelay $0x3  }
0x94: {  	_ =	strace s3  }
0x95: {  	s3 =	sld [smem:$0x3FFD];
	_ =	sdelay $0x3  }
0x96: {  	_ =	strace s3  }
0x97: {  	_ =	strace $0x8FFFFFFF  }
0x98: {  	s19 =	sld [smem:$0x3FDB];
	_ =	sdelay $0x1  }
0x99: {  	s4 =	simm.s32 $_scs_section_size  }
0x9a: {  	s5 =	simm.s32 $_size__tile_overlayer_lowered;
	s6 =	simm.s32 $_tile_overlayer_lowered  }
0x9b: {  	s22 =	simm.s32 $0x1BFF;
	s21 =	sshll.u32 s6, $0x1;
	s3 =	sadd.s32 s4, s19  }
0x9c: {  	s7 =	simm.s32 $0x0;
	s20 =	sshll.u32 s5, $0x1;
	s5 =	sadd.s32 s21, s3  }
0x9d: {  	[timem:s7], [sflag:s22] =	dma.local [hbm:s5], s20  }
0x9e: {  	_ =	swait.ge [sflag:s22], s20  }
0x9f: {  	s4 =	ssub.s32 $0x0, s20;
	[sflag:s22] =	ssyncset.done $0x0  }
0xa0: {  	[sflag:s22] =	ssyncadd.s32 s4;
	_ =	sdelay $0x1  }
0xa1: {  	s23 =	simm.s32 $0x1B8B  }
0xa2: {  	_ =	swait.ge [sflag:s23], $0x1  }
0xa3: {  	[sflag:s23] =	ssyncset.done $0x0  }
0xa4: {  	s25 =	simm.s32 $0x1B8E;
	s24 =	sld [smem:$0x3FFE];
	[sflag:s23] =	ssyncadd.s32 $0xFFFFFFFF  }
0xa5: {  	s26 =	simm.s32 $execute0_lowered;
	[smem:$0x3FD2] =	sst s25  }
0xa6: {  	s5 =	sshll.u32 s26, $0x1;
	_ =	strace $0x80000049;
	[dreg:$0x1] =	wrdreg $0xFFFFFFFF  }
0xa7: {  	s28 =	simm.s32 $_size_execute0_lowered;
	s3 =	sadd.s32 s3, s5;
	[dreg:$0x0] =	wrdreg $0x0  }
0xa8: {  	s5 =	sshll.u32 s28, $0x1;
	[dreg:$0x2] =	wrdreg s3  }
0xa9: {  	[dreg:$0x3] =	wrdreg s5  }
0xaa: {  	[dreg:$0x4] =	wrdreg $0xC0  }
0xab: {  	_ =	task [dreg:s7], $0x5FFFF  }
0xac: {  	[dreg:$0x1] =	wrdreg $0xFFFFFFFF  }
0xad: {  	[dreg:$0x0] =	wrdreg $0x60  }
0xae: {  	[dreg:$0x2] =	wrdreg s24  }
0xaf: {  	[dreg:$0x3] =	wrdreg s2  }
0xb0: {  	[dreg:$0x4] =	wrdreg $0x1AF900  }
0xb1: {  	[dreg:$0x5] =	wrdreg $0x9  }
0xb2: {  	_ =	task.clear_ibuf [dreg:s7], $0x6FFFF;
	_ =	strace $0x90000049  }
0xb3: {  	s29 =	simm.s32 $0x9;
	_ =	strace $0x8000004B  }
0xb4: {  	_ =	swait.ge [sflag:s29], $0x1  }
0xb5: {  	[sflag:s29] =	ssyncadd.s32 $0xFFFFFFFF  }
0xb6: {  	_ =	strace $0x9000004B  }
0xb7: {  	_ =	sfence  }
0xb8: {  	s30 =	sld [smem:$0x0];
	_ =	sdelay $0x2  }
0xb9: {  	s31 =	sshll.u32 s1, $0xD;
	s1 =	sshrl.u32 s1, $0x2  }
0xba: {  	s3 =	sand.u32 $0x4000, s31;
	s1 =	sadd.s32 s1, s30  }
0xbb: {  	s0 =	sor.u32 s3, s0;
	s1 =	sshll.u32 s1, $0x11  }
0xbc: {  	s0 =	sor.u32 s1, s0  }
0xbd: {  	s0 =	sadd.s32 $0x8F2B, s0  }
0xbe: {  	[sflag:s0] =	ssyncadd.remote.s32 $0x1  }
0xbf: {  	_ =	sfence.sel $0xFFFF  }
0xc0: {  	[dreg:$0x0] =	wrdreg $0xFFFFFFFF;
	(pc) =	sbr.abs _section_cstart, $3  }
0xc1: {  	[dreg:$0x1] =	wrdreg $0xFFFFFFFF  }
0xc2: {  	_ =	task.clear_ibuf [dreg:s7], $0x2FFFF;
	_ =	strace $0x9FFFFFFF  }
0xc3: {  	(tm) =	ssettm $0x7FFFFFFF  }
tec
execute0_lowered:
.L_overlay_start_1:
0x0: {  	(tag) =	ssettag $0x1  }
0x1: {  	s5 =	rddreg [dreg:$0x0]  }
0x2: {  	s10 =	rddreg [dreg:$0x1]  }
0x3: {  	s2 =	rddreg [dreg:$0x2]  }
0x4: {  	s0 =	rddreg [dreg:$0x3]  }
0x5: {  	s3 =	simm.s32 $0x0;
	s1 =	stileid.u32;
	s7 =	srdreg.scid  }
0x6: {  	s15 =	simm.s32 $0x2710;
	s16 =	simm.s32 $0x1;
	s17 =	simm.s32 $0x15F90  }
0x7: {  	s18 =	simm.s32 $0x18790;
	s19 =	simm.s32 $0x0;
	[smem:$0x7FF] =	sst s3  }
0x8: {  	s6 =	smul.u32 $0x2800, s1;
	s4 =	sadd.s32 $0xC800, s5;
	s7 =	sand.u32 $0x1, s7  }
0x9: {  	s8 =	sshll.u32 s1, $0x1;
	s14 =	sadd.s32 $0x2A00, s5;
	s30 =	smul.u32 $0x500, s1  }
0xa: {  	s31 =	sshll.u32 s1, $0x6;
	_ =	strace $0x8000004A;
	s11 =	ssub.s32 $0x2, s7  }
0xb: {  	s8 =	sor.u32 s7, s8;
	s29 =	smul.u32 $0x5000, s7;
	s7 =	sor.u32 $0x1C02, s31  }
0xc: {  	s9 =	sshrl.u32 s6, $0x3;
	s12 =	sshrl.u32 s11, $0x1;
	s13 =	smul.u32 $0x1388, s8  }
0xd: {  	s8 =	smul.u32 $0x271, s8;
	s9 =	sadd.s32 s9, s5;
	s11 =	ssub.s32 s11, s12  }
0xe: {  	s5 =	sadd.s32 s6, s2;
	s12 =	sadd.s32 s30, s29;
	s6 =	sadd.s32 $0x11800, s9  }
0xf: {  	s13 =	sshrl.u32 s13, $0x3;
	s8 =	sadd.s32 s14, s8;
	s10 =	sadd.s32 s10, s12  }
0x10: {  	s11 =	smax.u32 s11, $0x1;
	s12 =	sshrl.u32 s5, $0x3;
	s13 =	sadd.s32 s14, s13  }
0x11: {  	s14 =	simm.s32 $0x1388;
	s9 =	sadd.s32 $0x4E20, s13;
	s13 =	simm.s32 $0x2  }
.LBB2_1:
0x12: {  	[spmem:s12], [sflag:s7] =	dma.local [hbm:s6], $0x500  }
0x13: {  	_ =	swait.ge [sflag:s13], $0x500  }
0x14: {  	[sflag:s13] =	ssyncset.done $0x0  }
0x15: {  	[sflag:s13] =	ssyncadd.s32 $0xFFFFFB00  }
0x16: {  	[tilespmem:s3], [sflag:$0x2] =	stream.linear.gather [hbm4b:s8+s3], $0x1388, $0x38;
	[tilespmem:$0x1D790] =	vst v63  }
0x17: {  	_ =	swait.ge [sflag:s13], $0x1388  }
0x18: {  	[sflag:s13] =	ssyncset.done $0x0  }
0x19: {  	[sflag:s13] =	ssyncadd.s32 $0xFFFFEC78  }
0x1a: {  	[tilespmem:s14], [sflag:$0x2] =	stream.linear.gather [hbm4b:s9+s3], $0x1388, $0x38;
	[tilespmem:$0x1D790] =	vst v63  }
0x1b: {  	_ =	swait.ge [sflag:s13], $0x1388  }
0x1c: {  	[sflag:s13] =	ssyncset.done $0x0  }
0x1d: {  	[sflag:s13] =	ssyncadd.s32 $0xFFFFEC78  }
0x1e: {  	[bflag:$0x0] =	sbarrier.arrive $0xFFFF  }
0x1f: {  	[tilespmem:s15], [sflag:$0x1] =	stream.indirect.gather [hbm4b:s4+s14], $0x10, s3, s14, $0xb8;
	[tilespmem:$0x1D790] =	vst v63  }
0x20: {  	_ =	swait.ge [sflag:s16], $0x13880  }
0x21: {  	[sflag:s16] =	ssyncset.done $0x0  }
0x22: {  	[sflag:s16] =	ssyncadd.s32 $0xFFFEC780  }
0x23: {  	[spmem:s2] =	stream.indirect.scatter.add.f32 [tilespmem:s15], [sflag:$0x2], $0x10, s14, s14, $0xb8;
	[tilespmem:$0x1D790] =	vst v63  }
0x24: {  	_ =	swait.ge [sflag:s13], $0x13880  }
0x25: {  	[sflag:s13] =	ssyncset.done $0x0  }
0x26: {  	[sflag:s13] =	ssyncadd.s32 $0xFFFEC780  }
0x27: {  	[bflag:$0x0] =	sbarrier.arrive $0xFFFF  }
0x28: {  	[tilespmem:s17], [sflag:$0x2] =	stream.linear.gather [spmem:s5], $0x2800, $0x38;
	[tilespmem:$0x1D790] =	vst v63  }
0x29: {  	_ =	swait.ge [sflag:s13], $0x2800  }
0x2a: {  	[sflag:s13] =	ssyncset.done $0x0  }
0x2b: {  	s21 =	simm.s32 $0x0;
	[sflag:s13] =	ssyncadd.s32 $0xFFFFD800  }
0x2c: {  	v0 =	vld [tilespmem:s21+$0x15F90]  }
0x2d: {  	s20 =	sand.u32 $0xFE00, s3  }
0x2e: {  	s22 =	sand.u32 $0x70, s3;
	s23 =	sshrl.u32 s20, $0x2  }
0x2f: {  	s20 =	simm.s32 $0x10;
	s22 =	sor.u32 s22, s23;
	s21 =	simm.s32 $0x40  }
.LBB2_2:
0x30: {  	s23 =	sshra.s32 s21, $0x2  }
0x31: {  	p0 =	sne.s32 s20, $0x27F0;
	[tilespmem:s22+$0x18790] =	vst v0;
	s22 =	smov.u32 s20;
	s20 =	sadd.s32 $0x10, s20  }
.Ltmp0:
0x32: {  	v0 =	vld [tilespmem:s23+$0x15F90];
	(pc) =	sbr.rel @p0 .LBB2_2-.Ltmp0, $4  }
0x33: {  	_ = 	snop  }
0x34: {  	s23 =	sand.u32 $0xFE00, s21  }
0x35: {  	s22 =	sand.u32 $0x70, s22;
	s23 =	sshrl.u32 s23, $0x2  }
0x36: {  	s21 =	sadd.s32 $0x40, s21;
	s22 =	sor.u32 s22, s23  }
0x37: {  	s19 =	sadd.s32 $0x1, s19  }
0x38: {  	p0 =	sne.s32 s19, s11  }
.Ltmp1:
0x39: {  	[tilespmem:s22+$0x18790] =	vst v0;
	(pc) =	sbr.rel @p0 .LBB2_1-.Ltmp1, $4  }
0x3a: {  	[hbm4b:s10+s3] =	stream.linear.scatter [tilespmem:s18], [sflag:$0x2], $0x2800, $0x38;
	[tilespmem:$0x1D790] =	vst v63  }
0x3b: {  	_ =	swait.ge [sflag:s13], $0x2800  }
0x3c: {  	[sflag:s13] =	ssyncset.done $0x0  }
0x3d: {  	[sflag:s13] =	ssyncadd.s32 $0xFFFFD800  }
0x3e: {  	_ =	sfence.sel $0x180000  }
0x3f: {  	[bflag:$0x0] =	sbarrier.arrive $0xFFFF  }
0x40: {  	p0 =	sne.s32 s1, $0x0;
	_ =	strace $0x9000004A  }
0x41: {  	s0 =	sadd.s32 @!p0 $0x100000, s0;
	[bflag:$0x2] =	sbarrier.arrive $0xFFFF  }
0x42: {  	[sflag:s0] =	ssyncadd.tile.s32 @!p0 $0x1;
	_ =	shalt  }
.Lfunc_end2:
_tile_overlayer_lowered:
.L_overlay_start_2:
0x43: {  	(tag) =	ssettag $0x2  }
0x44: {  	s0 =	rddreg [dreg:$0x0];
	s2 =	stileid.u32  }
0x45: {  	s1 =	rddreg [dreg:$0x1];
	p0 =	sne.s32 s2, $0x0  }
0x46: {  	s3 =	rddreg [dreg:$0x2];
	[bflag:$0x3] =	sbarrier.arrive $0xFFFF;
	s2 =	simm.s32 @!p0 $0x1C02  }
0x47: {  	[timem:s3], [sflag:s2] =	dma.local @!p0 [hbm:s0], s1  }
0x48: {  	s0 =	simm.s32 @!p0 $0x2  }
0x49: {  	_ =	swait.ge @!p0 [sflag:s0], s1  }
0x4a: {  	s1 =	ssub.s32 @!p0 $0x0, s1;
	[sflag:s0] =	ssyncset.done @!p0 $0x0  }
0x4b: {  	[sflag:s0] =	ssyncadd.s32 @!p0 s1  }
0x4c: {  	[bflag:$0x3] =	sbarrier.arrive $0xFFFF  }
0x4d: {  	_ =	shalt  }

// kernel: kernel.16.cloned.1.call-start
scs
__scs_entry_jumppad:
0x0: {  	(pc) =	sbr.rel $0x88, $3  }
0x1: {  	(tag) =	ssettag $0x0;
	lr =	simm.s32 $0x1  }
0x2: {  	[smem:$0x3F9B] =	sst lr;
	_ =	strace $0xD0000000  }
0x3: {  	_ = 	snop  }
0x4: {  	_ = 	snop  }
0x5: {  	_ = 	snop  }
0x6: {  	_ = 	snop  }
0x7: {  	_ = 	snop  }
__scs_overlays_trampoline_lowered:
0x8: {  	[smem:$0x3FAA] =	sst s0  }
0x9: {  	[smem:$0x3FAB] =	sst s1  }
0xa: {  	[smem:$0x3FAC] =	sst s2  }
0xb: {  	[smem:$0x3FAD] =	sst s3  }
0xc: {  	[smem:$0x3FAE] =	sst s4  }
0xd: {  	[smem:$0x3FAF] =	sst s5  }
0xe: {  	[smem:$0x3FB0] =	sst s6  }
0xf: {  	[smem:$0x3FB1] =	sst s7  }
0x10: {  	[smem:$0x3FB2] =	sst s8  }
0x11: {  	[smem:$0x3FB3] =	sst s9;
	s0 =	simm.s32 @!p0 $0x0  }
0x12: {  	s1 =	sld [smem:$0x3F99];
	s0 =	simm.s32 @p0 $0x1  }
0x13: {  	[smem:$0x3FB4] =	sst s0;
	s0 =	simm.s32 @!p1 $0x0  }
0x14: {  	s2 =	sld [smem:$0x3F98];
	s0 =	simm.s32 @p1 $0x1  }
0x15: {  	[smem:$0x3FB5] =	sst s0;
	s0 =	simm.s32 @!p2 $0x0  }
0x16: {  	s3 =	sld [smem:$0x3FDB];
	s0 =	simm.s32 @p2 $0x1  }
0x17: {  	s4 =	simm.s32 $0x1BF5;
	[smem:$0x3FB7] =	sst s0  }
0x18: {  	s0 =	sld [smem:$0x3F9A];
	_ =	swait.ge [sflag:s4], $0x0  }
0x19: {  	s7 =	sld [smem:$0x3F9B]  }
0x1a: {  	s8 =	sadd.s32 $0xFFFFE003, lr  }
0x1b: {  	s9 =	sadd.s32 $0xFFFFFEF7, lr;
	s5 =	simm.s32 $0xFFFFFFFF;
	p2 =	slt.u32 s8, $0xFFFFF086  }
0x1c: {  	p1 =	slt.u32 s9, $0xF7A;
	s5 =	simm.s32 @!p2 $0x0  }
0x1d: {  	s5 =	simm.s32 @p1 $0x1;
	p0 =	seq.s32 s7, s2  }
0x1e: {  	s7 =	smul.u32 @!p0 $0xF7A, s2;
	p2 =	seq.s32 @!p0 s5, $0x0  }
0x1f: {  	s9 =	smul.u32 $0xF7A, s1;
	s8 =	simm.s32 @!p0 $0x1BF5;
	p2 =	por !p2, p0  }
0x20: {  	[sflag:s8] =	ssyncset.s32 @!p0 $0xFFFFF086;
	s6 =	sadd.s32 @!p0 s3, s7;
	s7 =	simm.s32 @!p0 $0x108  }
0x21: {  	s3 =	sadd.s32 s3, s9;
	s6 =	sadd.s32 @!p0 $0x88, s6;
	s7 =	simm.s32 @p2 $0x1082  }
0x22: {  	[simem:s7], [sflag:s8] =	dma.local @!p0 [hbm:s6], $0xF7A  }
0x23: {  	s9 =	sor.u32 $0xD0000000, s2;
	s6 =	simm.s32 $0x108;
	_ =	swait.ge @!p0 [sflag:s8], $0x0  }
0x24: {  	s3 =	sadd.s32 $0x88, s3;
	s6 =	simm.s32 @!p1 $0x1082;
	[sflag:s4] =	ssyncset.s32 $0xFFFFF086  }
0x25: {  	[simem:s6], [sflag:s4] =	dma.local [hbm:s3], $0xF7A  }
0x26: {  	[smem:$0x3F9B] =	sst s1;
	(tag) =	ssettag s2;
	_ =	strace s9  }
0x27: {  	s1 =	sld [smem:$0x3FAB]  }
0x28: {  	s2 =	sld [smem:$0x3FAC]  }
0x29: {  	s4 =	sld [smem:$0x3FAE]  }
0x2a: {  	p0 =	seq.s32 s5, $0x0;
	s5 =	sld [smem:$0x3FAF]  }
0x2b: {  	s6 =	sld [smem:$0x3FB0]  }
0x2c: {  	s7 =	sld [smem:$0x3FB1]  }
0x2d: {  	s3 =	simm.s32 $0x108;
	s8 =	sld [smem:$0x3FB2]  }
0x2e: {  	s3 =	simm.s32 @!p0 $0x1082;
	s9 =	sld [smem:$0x3FB3]  }
0x2f: {  	lr =	sadd.s32 s0, s3;
	s0 =	sld [smem:$0x3FAA]  }
0x30: {  	s3 =	sld [smem:$0x3FAD]  }
0x31: {  	[smem:$0x3FB6] =	sst s10  }
0x32: {  	s10 =	sld [smem:$0x3FB4];
	_ =	sdelay $0x3  }
0x33: {  	p0 =	seq.s32 s10, $0x1;
	s10 =	sld [smem:$0x3FB6];
	_ =	sdelay $0x3  }
0x34: {  	[smem:$0x3FB6] =	sst s10  }
0x35: {  	s10 =	sld [smem:$0x3FB5];
	_ =	sdelay $0x3  }
0x36: {  	p1 =	seq.s32 s10, $0x1;
	s10 =	sld [smem:$0x3FB6];
	_ =	sdelay $0x3  }
0x37: {  	[smem:$0x3FB6] =	sst s10  }
0x38: {  	s10 =	sld [smem:$0x3FB7]  }
0x39: {  	_ = 	snop;
	(pc) =	sbr.ind lr, $3  }
0x3a: {  	_ = 	snop  }
0x3b: {  	_ = 	snop  }
0x3c: {  	p2 =	seq.s32 s10, $0x1;
	s10 =	sld [smem:$0x3FB6]  }
0x3d: {  	_ =	shalt  }
0x3e: {  	_ =	shalt  }
0x3f: {  	_ =	shalt  }
0x40: {  	_ =	shalt  }
0x41: {  	_ =	shalt  }
0x42: {  	_ =	shalt  }
0x43: {  	_ =	shalt  }
0x44: {  	_ =	shalt  }
0x45: {  	_ =	shalt  }
0x46: {  	_ =	shalt  }
0x47: {  	_ =	shalt  }
0x48: {  	_ =	shalt  }
0x49: {  	_ =	shalt  }
0x4a: {  	_ =	shalt  }
0x4b: {  	_ =	shalt  }
0x4c: {  	_ =	shalt  }
0x4d: {  	_ =	shalt  }
0x4e: {  	_ =	shalt  }
0x4f: {  	_ =	shalt  }
0x50: {  	_ =	shalt  }
0x51: {  	_ =	shalt  }
0x52: {  	_ =	shalt  }
0x53: {  	_ =	shalt  }
0x54: {  	_ =	shalt  }
0x55: {  	_ =	shalt  }
0x56: {  	_ =	shalt  }
0x57: {  	_ =	shalt  }
0x58: {  	_ =	shalt  }
0x59: {  	_ =	shalt  }
0x5a: {  	_ =	shalt  }
0x5b: {  	_ =	shalt  }
0x5c: {  	_ =	shalt  }
0x5d: {  	_ =	shalt  }
0x5e: {  	_ =	shalt  }
0x5f: {  	_ =	shalt  }
0x60: {  	_ =	shalt  }
0x61: {  	_ =	shalt  }
0x62: {  	_ =	shalt  }
0x63: {  	_ =	shalt  }
0x64: {  	_ =	shalt  }
0x65: {  	_ =	shalt  }
0x66: {  	_ =	shalt  }
0x67: {  	_ =	shalt  }
0x68: {  	_ =	shalt  }
0x69: {  	_ =	shalt  }
0x6a: {  	_ =	shalt  }
0x6b: {  	_ =	shalt  }
0x6c: {  	_ =	shalt  }
0x6d: {  	_ =	shalt  }
0x6e: {  	_ =	shalt  }
0x6f: {  	_ =	shalt  }
0x70: {  	_ =	shalt  }
0x71: {  	_ =	shalt  }
0x72: {  	_ =	shalt  }
0x73: {  	_ =	shalt  }
0x74: {  	_ =	shalt  }
0x75: {  	_ =	shalt  }
0x76: {  	_ =	shalt  }
0x77: {  	_ =	shalt  }
0x78: {  	_ =	shalt  }
0x79: {  	_ =	shalt  }
0x7a: {  	_ =	shalt  }
0x7b: {  	_ =	shalt  }
0x7c: {  	_ =	shalt  }
0x7d: {  	_ =	shalt  }
0x7e: {  	_ =	shalt  }
0x7f: {  	_ =	shalt  }
0x80: {  	_ =	shalt  }
0x81: {  	_ =	shalt  }
0x82: {  	_ =	shalt  }
0x83: {  	_ =	shalt  }
0x84: {  	_ =	shalt  }
0x85: {  	_ =	shalt  }
0x86: {  	_ =	shalt  }
0x87: {  	_ =	shalt  }
.Lfunc_end0:
.L_simem_size_0:
called_computation.2_lowered:
.L_overlay_start_0:
0x88: {  	s2 =	sld [smem:$0x3FD9]  }
0x89: {  	s3 =	sld [smem:$0x3FFE];
	_ =	sdelay $0x1  }
0x8a: {  	s1 =	srdreg.scid  }
0x8b: {  	s0 =	sand.u32 $0x1, s1  }
0x8c: {  	s17 =	sshll.u32 s0, $0xA;
	s2 =	sadd.s32 s3, s2  }
0x8d: {  	s2 =	sadd.s32 s2, s17  }
0x8e: {  	[smem:$0x3FC2] =	sst s2  }
0x8f: {  	_ = 	snop  }
0x90: {  	s2 =	sld [smem:$0x3FD0];
	(tm) =	ssettm $0x1  }
0x91: {  	s18 =	sld [smem:$0x3FFB];
	_ =	sdelay $0x3  }
0x92: {  	_ =	strace s18  }
0x93: {  	s3 =	sld [smem:$0x3FFC];
	_ =	sdelay $0x3  }
0x94: {  	_ =	strace s3  }
0x95: {  	s3 =	sld [smem:$0x3FFD];
	_ =	sdelay $0x3  }
0x96: {  	_ =	strace s3  }
0x97: {  	_ =	strace $0x8FFFFFFF  }
0x98: {  	s19 =	sld [smem:$0x3FDB];
	_ =	sdelay $0x1  }
0x99: {  	s4 =	simm.s32 $_scs_section_size  }
0x9a: {  	s5 =	simm.s32 $_size__tile_overlayer_lowered;
	s6 =	simm.s32 $_tile_overlayer_lowered  }
0x9b: {  	s22 =	simm.s32 $0x1BFF;
	s21 =	sshll.u32 s6, $0x1;
	s3 =	sadd.s32 s4, s19  }
0x9c: {  	s7 =	simm.s32 $0x0;
	s20 =	sshll.u32 s5, $0x1;
	s5 =	sadd.s32 s21, s3  }
0x9d: {  	[timem:s7], [sflag:s22] =	dma.local [hbm:s5], s20  }
0x9e: {  	_ =	swait.ge [sflag:s22], s20  }
0x9f: {  	s4 =	ssub.s32 $0x0, s20;
	[sflag:s22] =	ssyncset.done $0x0  }
0xa0: {  	[sflag:s22] =	ssyncadd.s32 s4;
	_ =	sdelay $0x1  }
0xa1: {  	s23 =	simm.s32 $0x1B8B  }
0xa2: {  	_ =	swait.ge [sflag:s23], $0x1  }
0xa3: {  	[sflag:s23] =	ssyncset.done $0x0  }
0xa4: {  	s25 =	simm.s32 $0x1B8E;
	s24 =	sld [smem:$0x3FFE];
	[sflag:s23] =	ssyncadd.s32 $0xFFFFFFFF  }
0xa5: {  	s26 =	simm.s32 $execute0_lowered;
	[smem:$0x3FD2] =	sst s25  }
0xa6: {  	s5 =	sshll.u32 s26, $0x1;
	_ =	strace $0x8000004C;
	[dreg:$0x1] =	wrdreg $0xFFFFFFFF  }
0xa7: {  	s28 =	simm.s32 $_size_execute0_lowered;
	s3 =	sadd.s32 s3, s5;
	[dreg:$0x0] =	wrdreg $0x0  }
0xa8: {  	s5 =	sshll.u32 s28, $0x1;
	[dreg:$0x2] =	wrdreg s3  }
0xa9: {  	[dreg:$0x3] =	wrdreg s5  }
0xaa: {  	[dreg:$0x4] =	wrdreg $0xC0  }
0xab: {  	_ =	task [dreg:s7], $0x5FFFF  }
0xac: {  	[dreg:$0x1] =	wrdreg $0xFFFFFFFF  }
0xad: {  	[dreg:$0x0] =	wrdreg $0x60  }
0xae: {  	[dreg:$0x2] =	wrdreg s24  }
0xaf: {  	[dreg:$0x3] =	wrdreg s2  }
0xb0: {  	[dreg:$0x4] =	wrdreg $0x1AF900  }
0xb1: {  	[dreg:$0x5] =	wrdreg $0x9  }
0xb2: {  	_ =	task.clear_ibuf [dreg:s7], $0x6FFFF;
	_ =	strace $0x9000004C  }
0xb3: {  	s29 =	simm.s32 $0x9;
	_ =	strace $0x8000004E  }
0xb4: {  	_ =	swait.ge [sflag:s29], $0x1  }
0xb5: {  	[sflag:s29] =	ssyncadd.s32 $0xFFFFFFFF  }
0xb6: {  	_ =	strace $0x9000004E  }
0xb7: {  	_ =	sfence  }
0xb8: {  	s30 =	sld [smem:$0x0];
	_ =	sdelay $0x2  }
0xb9: {  	s31 =	sshll.u32 s1, $0xD;
	s1 =	sshrl.u32 s1, $0x2  }
0xba: {  	s3 =	sand.u32 $0x4000, s31;
	s1 =	sadd.s32 s1, s30  }
0xbb: {  	s0 =	sor.u32 s3, s0;
	s1 =	sshll.u32 s1, $0x11  }
0xbc: {  	s0 =	sor.u32 s1, s0  }
0xbd: {  	s0 =	sadd.s32 $0x8F2B, s0  }
0xbe: {  	[sflag:s0] =	ssyncadd.remote.s32 $0x1  }
0xbf: {  	_ =	sfence.sel $0xFFFF  }
0xc0: {  	[dreg:$0x0] =	wrdreg $0xFFFFFFFF;
	(pc) =	sbr.abs _section_cstart, $3  }
0xc1: {  	[dreg:$0x1] =	wrdreg $0xFFFFFFFF  }
0xc2: {  	_ =	task.clear_ibuf [dreg:s7], $0x2FFFF;
	_ =	strace $0x9FFFFFFF  }
0xc3: {  	(tm) =	ssettm $0x7FFFFFFF  }
tec
execute0_lowered:
.L_overlay_start_1:
0x0: {  	(tag) =	ssettag $0x1  }
0x1: {  	s5 =	rddreg [dreg:$0x0]  }
0x2: {  	s10 =	rddreg [dreg:$0x1]  }
0x3: {  	s2 =	rddreg [dreg:$0x2]  }
0x4: {  	s0 =	rddreg [dreg:$0x3]  }
0x5: {  	s3 =	simm.s32 $0x0;
	s1 =	stileid.u32;
	s7 =	srdreg.scid  }
0x6: {  	s15 =	simm.s32 $0x2710;
	s16 =	simm.s32 $0x1;
	s17 =	simm.s32 $0x15F90  }
0x7: {  	s18 =	simm.s32 $0x18790;
	s19 =	simm.s32 $0x0;
	[smem:$0x7FF] =	sst s3  }
0x8: {  	s6 =	smul.u32 $0x2800, s1;
	s4 =	sadd.s32 $0xC800, s5;
	s7 =	sand.u32 $0x1, s7  }
0x9: {  	s8 =	sshll.u32 s1, $0x1;
	s14 =	sadd.s32 $0x2A00, s5;
	s30 =	smul.u32 $0x500, s1  }
0xa: {  	s31 =	sshll.u32 s1, $0x6;
	_ =	strace $0x8000004D;
	s11 =	ssub.s32 $0x2, s7  }
0xb: {  	s8 =	sor.u32 s7, s8;
	s29 =	smul.u32 $0x5000, s7;
	s7 =	sor.u32 $0x1C02, s31  }
0xc: {  	s9 =	sshrl.u32 s6, $0x3;
	s12 =	sshrl.u32 s11, $0x1;
	s13 =	smul.u32 $0x1388, s8  }
0xd: {  	s8 =	smul.u32 $0x271, s8;
	s9 =	sadd.s32 s9, s5;
	s11 =	ssub.s32 s11, s12  }
0xe: {  	s5 =	sadd.s32 s6, s2;
	s12 =	sadd.s32 s30, s29;
	s6 =	sadd.s32 $0x11800, s9  }
0xf: {  	s13 =	sshrl.u32 s13, $0x3;
	s8 =	sadd.s32 s14, s8;
	s10 =	sadd.s32 s10, s12  }
0x10: {  	s11 =	smax.u32 s11, $0x1;
	s12 =	sshrl.u32 s5, $0x3;
	s13 =	sadd.s32 s14, s13  }
0x11: {  	s14 =	simm.s32 $0x1388;
	s9 =	sadd.s32 $0x4E20, s13;
	s13 =	simm.s32 $0x2  }
.LBB2_1:
0x12: {  	[spmem:s12], [sflag:s7] =	dma.local [hbm:s6], $0x500  }
0x13: {  	_ =	swait.ge [sflag:s13], $0x500  }
0x14: {  	[sflag:s13] =	ssyncset.done $0x0  }
0x15: {  	[sflag:s13] =	ssyncadd.s32 $0xFFFFFB00  }
0x16: {  	[tilespmem:s3], [sflag:$0x2] =	stream.linear.gather [hbm4b:s8+s3], $0x1388, $0x38;
	[tilespmem:$0x1D790] =	vst v63  }
0x17: {  	_ =	swait.ge [sflag:s13], $0x1388  }
0x18: {  	[sflag:s13] =	ssyncset.done $0x0  }
0x19: {  	[sflag:s13] =	ssyncadd.s32 $0xFFFFEC78  }
0x1a: {  	[tilespmem:s14], [sflag:$0x2] =	stream.linear.gather [hbm4b:s9+s3], $0x1388, $0x38;
	[tilespmem:$0x1D790] =	vst v63  }
0x1b: {  	_ =	swait.ge [sflag:s13], $0x1388  }
0x1c: {  	[sflag:s13] =	ssyncset.done $0x0  }
0x1d: {  	[sflag:s13] =	ssyncadd.s32 $0xFFFFEC78  }
0x1e: {  	[bflag:$0x0] =	sbarrier.arrive $0xFFFF  }
0x1f: {  	[tilespmem:s15], [sflag:$0x1] =	stream.indirect.gather [hbm4b:s4+s14], $0x10, s3, s14, $0xb8;
	[tilespmem:$0x1D790] =	vst v63  }
0x20: {  	_ =	swait.ge [sflag:s16], $0x13880  }
0x21: {  	[sflag:s16] =	ssyncset.done $0x0  }
0x22: {  	[sflag:s16] =	ssyncadd.s32 $0xFFFEC780  }
0x23: {  	[spmem:s2] =	stream.indirect.scatter.add.f32 [tilespmem:s15], [sflag:$0x2], $0x10, s14, s14, $0xb8;
	[tilespmem:$0x1D790] =	vst v63  }
0x24: {  	_ =	swait.ge [sflag:s13], $0x13880  }
0x25: {  	[sflag:s13] =	ssyncset.done $0x0  }
0x26: {  	[sflag:s13] =	ssyncadd.s32 $0xFFFEC780  }
0x27: {  	[bflag:$0x0] =	sbarrier.arrive $0xFFFF  }
0x28: {  	[tilespmem:s17], [sflag:$0x2] =	stream.linear.gather [spmem:s5], $0x2800, $0x38;
	[tilespmem:$0x1D790] =	vst v63  }
0x29: {  	_ =	swait.ge [sflag:s13], $0x2800  }
0x2a: {  	[sflag:s13] =	ssyncset.done $0x0  }
0x2b: {  	s21 =	simm.s32 $0x0;
	[sflag:s13] =	ssyncadd.s32 $0xFFFFD800  }
0x2c: {  	v0 =	vld [tilespmem:s21+$0x15F90]  }
0x2d: {  	s20 =	sand.u32 $0xFE00, s3  }
0x2e: {  	s22 =	sand.u32 $0x70, s3;
	s23 =	sshrl.u32 s20, $0x2  }
0x2f: {  	s20 =	simm.s32 $0x10;
	s22 =	sor.u32 s22, s23;
	s21 =	simm.s32 $0x40  }
.LBB2_2:
0x30: {  	s23 =	sshra.s32 s21, $0x2  }
0x31: {  	p0 =	sne.s32 s20, $0x27F0;
	[tilespmem:s22+$0x18790] =	vst v0;
	s22 =	smov.u32 s20;
	s20 =	sadd.s32 $0x10, s20  }
.Ltmp0:
0x32: {  	v0 =	vld [tilespmem:s23+$0x15F90];
	(pc) =	sbr.rel @p0 .LBB2_2-.Ltmp0, $4  }
0x33: {  	_ = 	snop  }
0x34: {  	s23 =	sand.u32 $0xFE00, s21  }
0x35: {  	s22 =	sand.u32 $0x70, s22;
	s23 =	sshrl.u32 s23, $0x2  }
0x36: {  	s21 =	sadd.s32 $0x40, s21;
	s22 =	sor.u32 s22, s23  }
0x37: {  	s19 =	sadd.s32 $0x1, s19  }
0x38: {  	p0 =	sne.s32 s19, s11  }
.Ltmp1:
0x39: {  	[tilespmem:s22+$0x18790] =	vst v0;
	(pc) =	sbr.rel @p0 .LBB2_1-.Ltmp1, $4  }
0x3a: {  	[hbm4b:s10+s3] =	stream.linear.scatter [tilespmem:s18], [sflag:$0x2], $0x2800, $0x38;
	[tilespmem:$0x1D790] =	vst v63  }
0x3b: {  	_ =	swait.ge [sflag:s13], $0x2800  }
0x3c: {  	[sflag:s13] =	ssyncset.done $0x0  }
0x3d: {  	[sflag:s13] =	ssyncadd.s32 $0xFFFFD800  }
0x3e: {  	_ =	sfence.sel $0x180000  }
0x3f: {  	[bflag:$0x0] =	sbarrier.arrive $0xFFFF  }
0x40: {  	p0 =	sne.s32 s1, $0x0;
	_ =	strace $0x9000004D  }
0x41: {  	s0 =	sadd.s32 @!p0 $0x100000, s0;
	[bflag:$0x2] =	sbarrier.arrive $0xFFFF  }
0x42: {  	[sflag:s0] =	ssyncadd.tile.s32 @!p0 $0x1;
	_ =	shalt  }
.Lfunc_end2:
_tile_overlayer_lowered:
.L_overlay_start_2:
0x43: {  	(tag) =	ssettag $0x2  }
0x44: {  	s0 =	rddreg [dreg:$0x0];
	s2 =	stileid.u32  }
0x45: {  	s1 =	rddreg [dreg:$0x1];
	p0 =	sne.s32 s2, $0x0  }
0x46: {  	s3 =	rddreg [dreg:$0x2];
	[bflag:$0x3] =	sbarrier.arrive $0xFFFF;
	s2 =	simm.s32 @!p0 $0x1C02  }
0x47: {  	[timem:s3], [sflag:s2] =	dma.local @!p0 [hbm:s0], s1  }
0x48: {  	s0 =	simm.s32 @!p0 $0x2  }
0x49: {  	_ =	swait.ge @!p0 [sflag:s0], s1  }
0x4a: {  	s1 =	ssub.s32 @!p0 $0x0, s1;
	[sflag:s0] =	ssyncset.done @!p0 $0x0  }
0x4b: {  	[sflag:s0] =	ssyncadd.s32 @!p0 s1  }
0x4c: {  	[bflag:$0x3] =	sbarrier.arrive $0xFFFF  }
0x4d: {  	_ =	shalt  }

</sc_bundles>
